<compile_context>
chip_gen: v7x
topology: tpu7x:2x2x1
jax: 0.10.2.dev20260603
libtpu: 0.0.44.dev20260713+nightly
codegen_flags: <defaults>
</compile_context>

<pallas_src>
import functools

import jax
import jax.numpy as jnp
from jax import lax
from jax.experimental import pallas as pl
from jax.experimental.pallas import tpu as pltpu
from jax.experimental.pallas import tpu_sc as plsc

N_NODES = 50000
N_EDGES = 1600000
THETA_CONST = 1.0

L = 16
NC, NS = 2, 16
NW = NC * NS
E_PER_W = N_EDGES // NW
CHUNK = 2000
NCHUNK = E_PER_W // CHUNK
STEPS = CHUNK // L
N_PAD = 50176
R = N_PAD // NS


def _edge_flow_body(v_hbm, src_hbm, dst_hbm, g_hbm, t1_hbm, t2_hbm,
                    out_hbm,
                    v_vm, acc, sbuf, dbuf, gbuf, t1buf, t2buf,
                    shared, tmp, red):
    cid = lax.axis_index("c")
    sid = lax.axis_index("s")
    wid = cid * NS + sid
    ebase = wid * E_PER_W

    pltpu.sync_copy(v_hbm, v_vm)

    zero = jnp.zeros((L,), jnp.float32)

    def zbody(i, c):
        acc[pl.ds(i * L, L)] = zero
        return c

    lax.fori_loop(0, N_PAD // L, zbody, 0)

    def chunk_body(gi, c):
        base = ebase + gi * CHUNK
        pltpu.sync_copy(src_hbm.at[pl.ds(base, CHUNK)], sbuf)
        pltpu.sync_copy(dst_hbm.at[pl.ds(base, CHUNK)], dbuf)
        pltpu.sync_copy(g_hbm.at[pl.ds(base, CHUNK)], gbuf)
        pltpu.sync_copy(t1_hbm.at[pl.ds(base, CHUNK)], t1buf)
        pltpu.sync_copy(t2_hbm.at[pl.ds(base, CHUNK)], t2buf)

        def step(j, cc):
            off = j * L
            s = sbuf[pl.ds(off, L)]
            d = dbuf[pl.ds(off, L)]
            vs = plsc.load_gather(v_vm, [s])
            vd = plsc.load_gather(v_vm, [d])
            flow = gbuf[pl.ds(off, L)] * jnp.maximum(
                t1buf[pl.ds(off, L)] * (vs - vd) + t2buf[pl.ds(off, L)], 0.0)
            plsc.addupdate_scatter(acc, [d], flow)
            plsc.addupdate_scatter(acc, [s], -flow)
            return cc

        lax.fori_loop(0, STEPS, step, 0)
        return c

    lax.fori_loop(0, NCHUNK, chunk_body, 0)

    rbase = sid * R

    def cbody(k, c):
        o = k * L
        red[pl.ds(o, L)] = acc[pl.ds(rbase + o, L)]
        return c

    lax.fori_loop(0, R // L, cbody, 0)

    for r in range(1, NS):
        dpub = lax.rem(sid + r, NS)
        jsrc = lax.rem(sid + NS - r, NS)
        pltpu.sync_copy(acc.at[pl.ds(pl.multiple_of(dpub * R, 8), R)],
                        shared.at[pl.ds(sid * R, R)])
        plsc.subcore_barrier()
        pltpu.sync_copy(shared.at[pl.ds(pl.multiple_of(jsrc * R, 8), R)],
                        tmp)

        def abody(k, c):
            o = k * L
            red[pl.ds(o, L)] = red[pl.ds(o, L)] + tmp[pl.ds(o, L)]
            return c

        lax.fori_loop(0, R // L, abody, 0)
        plsc.subcore_barrier()

    pltpu.sync_copy(red, out_hbm.at[pl.ds(cid * N_PAD + rbase, R)])


_edge_flow = functools.partial(
    pl.kernel,
    out_type=jax.ShapeDtypeStruct((NC * N_PAD,), jnp.float32),
    mesh=plsc.VectorSubcoreMesh(core_axis_name="c", subcore_axis_name="s"),
    compiler_params=pltpu.CompilerParams(needs_layout_passes=False),
    scratch_types=[
        pltpu.VMEM((N_NODES,), jnp.float32),
        pltpu.VMEM((N_PAD,), jnp.float32),
        pltpu.VMEM((CHUNK,), jnp.int32),
        pltpu.VMEM((CHUNK,), jnp.int32),
        pltpu.VMEM((CHUNK,), jnp.float32),
        pltpu.VMEM((CHUNK,), jnp.float32),
        pltpu.VMEM((CHUNK,), jnp.float32),
        pltpu.VMEM_SHARED((N_PAD,), jnp.float32),
        pltpu.VMEM((R,), jnp.float32),
        pltpu.VMEM((R,), jnp.float32),
    ],
)(_edge_flow_body)


def _combine_body(p_ref, o_ref):
    o_ref[...] = (p_ref[0] + p_ref[1]) * (1.0 / THETA_CONST)


def _combine(partials):
    out = pl.pallas_call(
        _combine_body,
        out_shape=jax.ShapeDtypeStruct((N_PAD // 128, 128), jnp.float32),
    )(partials.reshape(NC, N_PAD // 128, 128))
    return out.reshape(N_PAD)[:N_NODES]


def kernel(t, v, edge_index, conductance, theta_sd_1, theta_sd_2):
    del t
    src = edge_index[0]
    dst = edge_index[1]
    partials = _edge_flow(v, src, dst, conductance, theta_sd_1, theta_sd_2)
    return _combine(partials.reshape(NC, N_PAD))

# --- scband reference (transcript-rebuilt; emitter-appended) ---
"""Pipeline reference for scband-kirchhoff-net-31052613550405 (READ-ONLY COPY).

The authoritative reference and input builder live on the scoring server;
editing this copy changes nothing except your own understanding.
"""

import jax, jax.numpy as jnp
import numpy as np

NUM_NODES = 50000
NUM_EDGES = 1600000
THETA = 1.0


def setup_inputs(seed: int = 0) -> dict:
    key = jax.random.key(seed)
    k1, k2, k3, k4, k5 = jax.random.split(key, 5)
    t = jnp.zeros((), dtype=jnp.float32)
    v = jax.random.normal(k1, (NUM_NODES,), dtype=jnp.float32)
    edge_index = jax.random.randint(k2, (2, NUM_EDGES), 0, NUM_NODES, dtype=jnp.int64 if jax.config.jax_enable_x64 else jnp.int32).astype(jnp.int32)
    # conductance = 1/resistance; draw resistance in (0.5, 2.0) so conductance is well-behaved
    resistance = jax.random.uniform(k3, (NUM_EDGES,), dtype=jnp.float32, minval=0.5, maxval=2.0)
    conductance = 1.0 / resistance
    theta_sd_1 = jax.random.normal(k4, (NUM_EDGES,), dtype=jnp.float32) * 0.1
    theta_sd_2 = jax.random.normal(k5, (NUM_EDGES,), dtype=jnp.float32) * 0.1
    return {
        "t": t,
        "v": v,
        "edge_index": edge_index,
        "conductance": conductance,
        "theta_sd_1": theta_sd_1,
        "theta_sd_2": theta_sd_2,
    }


def reference(t, v, edge_index, conductance, theta_sd_1, theta_sd_2):
    # Vectorized KirchhoffNet forward: dv/dt via Kirchhoff current law.
    src = edge_index[0]
    dst = edge_index[1]
    vs = jnp.take(v, src)  # gather source voltages
    vd = jnp.take(v, dst)  # gather destination voltages
    # g(vs, vd) = relu(theta1 * (vs - vd) + theta2)
    flow = conductance * jax.nn.relu(theta_sd_1 * (vs - vd) + theta_sd_2)
    # incoming current at each node: sum of flows over edges with dst == node
    incoming = jnp.zeros_like(v).at[dst].add(flow)
    # outgoing current at each node: sum of flows over edges with src == node
    outgoing = jnp.zeros_like(v).at[src].add(flow)
    dv_dt = (incoming - outgoing) / THETA
    return dv_dt

if __name__ == "__main__":
    import jax
    _d = setup_inputs()
    print(jax.jit(kernel)(*tuple(_d.values())))

</pallas_src>

<mosaic_0001>
#map = affine_map<(d0, d1) -> (0)>
module attributes {stable_mosaic.version = 14 : i64} {
  func.func @_edge_flow_body(%arg0: i32, %arg1: i32, %arg2: memref<50000xf32, #tpu.memory_space<hbm>>, %arg3: memref<1600000xi32, #tpu.memory_space<hbm>>, %arg4: memref<1600000xi32, #tpu.memory_space<hbm>>, %arg5: memref<1600000xf32, #tpu.memory_space<hbm>>, %arg6: memref<1600000xf32, #tpu.memory_space<hbm>>, %arg7: memref<1600000xf32, #tpu.memory_space<hbm>>, %arg8: memref<100352xf32, #tpu.memory_space<hbm>>, %arg9: memref<50000xf32, #tpu.memory_space<vmem>>, %arg10: memref<50176xf32, #tpu.memory_space<vmem>>, %arg11: memref<2000xi32, #tpu.memory_space<vmem>>, %arg12: memref<2000xi32, #tpu.memory_space<vmem>>, %arg13: memref<2000xf32, #tpu.memory_space<vmem>>, %arg14: memref<2000xf32, #tpu.memory_space<vmem>>, %arg15: memref<2000xf32, #tpu.memory_space<vmem>>, %arg16: memref<50176xf32, #tpu.memory_space<vmem_shared>>, %arg17: memref<3136xf32, #tpu.memory_space<vmem>>, %arg18: memref<3136xf32, #tpu.memory_space<vmem>>) attributes {dimension_semantics = [#tpu.dimension_semantics<core_parallel>, #tpu.dimension_semantics<subcore_parallel>], iteration_bounds = array<i64: 2, 16>, scalar_prefetch = 0 : i64, scratch_operands = 10 : i64, tpu.core_type = #tpu.core_type<sc_vector_subcore>, window_params = [{transform_indices = #map}, {transform_indices = #map}, {transform_indices = #map}, {transform_indices = #map}, {transform_indices = #map}, {transform_indices = #map}, {transform_indices = #map}]} {
    %mul3A = arith.constant 16 : i32
    %mul3A_0 = arith.muli %arg0, %mul3A : i32
    %add3A = arith.addi %mul3A_0, %arg1 : i32
    %mul3A_1 = arith.constant 50000 : i32
    %mul3A_2 = arith.muli %add3A, %mul3A_1 : i32
    "tpu.region"() ({
      %run_scoped3A = tpu.sem_alloc : memref<!tpu.dma_semaphore, #tpu.memory_space<semaphore_mem>>
      tpu.enqueue_dma source(%arg2 : memref<50000xf32, #tpu.memory_space<hbm>>) target(%arg9 : memref<50000xf32, #tpu.memory_space<vmem>>) target_semaphore(%run_scoped3A : memref<!tpu.dma_semaphore, #tpu.memory_space<semaphore_mem>>)
      tpu.wait_dma2 semaphore(%run_scoped3A : memref<!tpu.dma_semaphore, #tpu.memory_space<semaphore_mem>>) src(%arg2 : memref<50000xf32, #tpu.memory_space<hbm>>) dst(%arg9 : memref<50000xf32, #tpu.memory_space<vmem>>)
      tpu.yield
    }) : () -> ()
    %broadcast_in_dim3A = arith.constant 0.000000e+00 : f32
    %broadcast_in_dim3A_3 = vector.broadcast %broadcast_in_dim3A : f32 to vector<16xf32>
    %scan3A = arith.constant 0 : i32
    %scan3A_4 = arith.constant 0 : i32
    %scan3A_5 = arith.constant 3136 : i32
    %scan3A_6 = arith.addi %scan3A_4, %scan3A_5 : i32
    %scan3A_7 = arith.constant 1 : i32
    scf.for %scan3A_412 = %scan3A_4 to %scan3A_6 step %scan3A_7  : i32 {
      %mul3A_413 = arith.constant 16 : i32
      %mul3A_414 = arith.muli %scan3A_412, %mul3A_413 : i32
      %swap3A = arith.index_cast %mul3A_414 : i32 to index
      %swap3A_415 = tpu.vector_load %arg10[%swap3A] {strides = array<i32>} : memref<50176xf32, #tpu.memory_space<vmem>>, vector<16xf32>,
      tpu.vector_store %arg10[%swap3A], %broadcast_in_dim3A_3 {strides = array<i32>} : memref<50176xf32, #tpu.memory_space<vmem>>, vector<16xf32>,
    }
    %scan3A_8 = arith.constant 3136 : i32
    %scan3A_9 = arith.constant 0 : i32
    %scan3A_10 = arith.constant 0 : i32
    %scan3A_11 = arith.constant 25 : i32
    %scan3A_12 = arith.addi %scan3A_10, %scan3A_11 : i32
    %scan3A_13 = arith.constant 1 : i32
    scf.for %scan3A_412 = %scan3A_10 to %scan3A_12 step %scan3A_13  : i32 {
      %mul3A_413 = arith.constant 2000 : i32
      %mul3A_414 = arith.muli %scan3A_412, %mul3A_413 : i32
      %add3A_415 = arith.addi %mul3A_2, %mul3A_414 : i32
      "tpu.region"() ({
        %run_scoped3A = tpu.sem_alloc : memref<!tpu.dma_semaphore, #tpu.memory_space<semaphore_mem>>
        %dma_start3A = tpu.memref_slice %arg3[%add3A_415] : memref<1600000xi32, #tpu.memory_space<hbm>> -> memref<2000xi32, #tpu.memory_space<hbm>>
        %dma_start3A_422 = tpu.memref_slice %arg3[%add3A_415] : memref<1600000xi32, #tpu.memory_space<hbm>> -> memref<2000xi32, #tpu.memory_space<hbm>>
        tpu.enqueue_dma source(%dma_start3A_422 : memref<2000xi32, #tpu.memory_space<hbm>>) target(%arg11 : memref<2000xi32, #tpu.memory_space<vmem>>) target_semaphore(%run_scoped3A : memref<!tpu.dma_semaphore, #tpu.memory_space<semaphore_mem>>)
        %dma_wait3A = tpu.memref_slice %arg3[%add3A_415] : memref<1600000xi32, #tpu.memory_space<hbm>> -> memref<2000xi32, #tpu.memory_space<hbm>>
        %dma_wait3A_423 = tpu.memref_slice %arg3[%add3A_415] : memref<1600000xi32, #tpu.memory_space<hbm>> -> memref<2000xi32, #tpu.memory_space<hbm>>
        tpu.wait_dma2 semaphore(%run_scoped3A : memref<!tpu.dma_semaphore, #tpu.memory_space<semaphore_mem>>) src(%dma_wait3A_423 : memref<2000xi32, #tpu.memory_space<hbm>>) dst(%arg11 : memref<2000xi32, #tpu.memory_space<vmem>>)
        tpu.yield
      }) : () -> ()
      "tpu.region"() ({
        %run_scoped3A = tpu.sem_alloc : memref<!tpu.dma_semaphore, #tpu.memory_space<semaphore_mem>>
        %dma_start3A = tpu.memref_slice %arg4[%add3A_415] : memref<1600000xi32, #tpu.memory_space<hbm>> -> memref<2000xi32, #tpu.memory_space<hbm>>
        %dma_start3A_422 = tpu.memref_slice %arg4[%add3A_415] : memref<1600000xi32, #tpu.memory_space<hbm>> -> memref<2000xi32, #tpu.memory_space<hbm>>
        tpu.enqueue_dma source(%dma_start3A_422 : memref<2000xi32, #tpu.memory_space<hbm>>) target(%arg12 : memref<2000xi32, #tpu.memory_space<vmem>>) target_semaphore(%run_scoped3A : memref<!tpu.dma_semaphore, #tpu.memory_space<semaphore_mem>>)
        %dma_wait3A = tpu.memref_slice %arg4[%add3A_415] : memref<1600000xi32, #tpu.memory_space<hbm>> -> memref<2000xi32, #tpu.memory_space<hbm>>
        %dma_wait3A_423 = tpu.memref_slice %arg4[%add3A_415] : memref<1600000xi32, #tpu.memory_space<hbm>> -> memref<2000xi32, #tpu.memory_space<hbm>>
        tpu.wait_dma2 semaphore(%run_scoped3A : memref<!tpu.dma_semaphore, #tpu.memory_space<semaphore_mem>>) src(%dma_wait3A_423 : memref<2000xi32, #tpu.memory_space<hbm>>) dst(%arg12 : memref<2000xi32, #tpu.memory_space<vmem>>)
        tpu.yield
      }) : () -> ()
      "tpu.region"() ({
        %run_scoped3A = tpu.sem_alloc : memref<!tpu.dma_semaphore, #tpu.memory_space<semaphore_mem>>
        %dma_start3A = tpu.memref_slice %arg5[%add3A_415] : memref<1600000xf32, #tpu.memory_space<hbm>> -> memref<2000xf32, #tpu.memory_space<hbm>>
        %dma_start3A_422 = tpu.memref_slice %arg5[%add3A_415] : memref<1600000xf32, #tpu.memory_space<hbm>> -> memref<2000xf32, #tpu.memory_space<hbm>>
        tpu.enqueue_dma source(%dma_start3A_422 : memref<2000xf32, #tpu.memory_space<hbm>>) target(%arg13 : memref<2000xf32, #tpu.memory_space<vmem>>) target_semaphore(%run_scoped3A : memref<!tpu.dma_semaphore, #tpu.memory_space<semaphore_mem>>)
        %dma_wait3A = tpu.memref_slice %arg5[%add3A_415] : memref<1600000xf32, #tpu.memory_space<hbm>> -> memref<2000xf32, #tpu.memory_space<hbm>>
        %dma_wait3A_423 = tpu.memref_slice %arg5[%add3A_415] : memref<1600000xf32, #tpu.memory_space<hbm>> -> memref<2000xf32, #tpu.memory_space<hbm>>
        tpu.wait_dma2 semaphore(%run_scoped3A : memref<!tpu.dma_semaphore, #tpu.memory_space<semaphore_mem>>) src(%dma_wait3A_423 : memref<2000xf32, #tpu.memory_space<hbm>>) dst(%arg13 : memref<2000xf32, #tpu.memory_space<vmem>>)
        tpu.yield
      }) : () -> ()
      "tpu.region"() ({
        %run_scoped3A = tpu.sem_alloc : memref<!tpu.dma_semaphore, #tpu.memory_space<semaphore_mem>>
        %dma_start3A = tpu.memref_slice %arg6[%add3A_415] : memref<1600000xf32, #tpu.memory_space<hbm>> -> memref<2000xf32, #tpu.memory_space<hbm>>
        %dma_start3A_422 = tpu.memref_slice %arg6[%add3A_415] : memref<1600000xf32, #tpu.memory_space<hbm>> -> memref<2000xf32, #tpu.memory_space<hbm>>
        tpu.enqueue_dma source(%dma_start3A_422 : memref<2000xf32, #tpu.memory_space<hbm>>) target(%arg14 : memref<2000xf32, #tpu.memory_space<vmem>>) target_semaphore(%run_scoped3A : memref<!tpu.dma_semaphore, #tpu.memory_space<semaphore_mem>>)
        %dma_wait3A = tpu.memref_slice %arg6[%add3A_415] : memref<1600000xf32, #tpu.memory_space<hbm>> -> memref<2000xf32, #tpu.memory_space<hbm>>
        %dma_wait3A_423 = tpu.memref_slice %arg6[%add3A_415] : memref<1600000xf32, #tpu.memory_space<hbm>> -> memref<2000xf32, #tpu.memory_space<hbm>>
        tpu.wait_dma2 semaphore(%run_scoped3A : memref<!tpu.dma_semaphore, #tpu.memory_space<semaphore_mem>>) src(%dma_wait3A_423 : memref<2000xf32, #tpu.memory_space<hbm>>) dst(%arg14 : memref<2000xf32, #tpu.memory_space<vmem>>)
        tpu.yield
      }) : () -> ()
      "tpu.region"() ({
        %run_scoped3A = tpu.sem_alloc : memref<!tpu.dma_semaphore, #tpu.memory_space<semaphore_mem>>
        %dma_start3A = tpu.memref_slice %arg7[%add3A_415] : memref<1600000xf32, #tpu.memory_space<hbm>> -> memref<2000xf32, #tpu.memory_space<hbm>>
        %dma_start3A_422 = tpu.memref_slice %arg7[%add3A_415] : memref<1600000xf32, #tpu.memory_space<hbm>> -> memref<2000xf32, #tpu.memory_space<hbm>>
        tpu.enqueue_dma source(%dma_start3A_422 : memref<2000xf32, #tpu.memory_space<hbm>>) target(%arg15 : memref<2000xf32, #tpu.memory_space<vmem>>) target_semaphore(%run_scoped3A : memref<!tpu.dma_semaphore, #tpu.memory_space<semaphore_mem>>)
        %dma_wait3A = tpu.memref_slice %arg7[%add3A_415] : memref<1600000xf32, #tpu.memory_space<hbm>> -> memref<2000xf32, #tpu.memory_space<hbm>>
        %dma_wait3A_423 = tpu.memref_slice %arg7[%add3A_415] : memref<1600000xf32, #tpu.memory_space<hbm>> -> memref<2000xf32, #tpu.memory_space<hbm>>
        tpu.wait_dma2 semaphore(%run_scoped3A : memref<!tpu.dma_semaphore, #tpu.memory_space<semaphore_mem>>) src(%dma_wait3A_423 : memref<2000xf32, #tpu.memory_space<hbm>>) dst(%arg15 : memref<2000xf32, #tpu.memory_space<vmem>>)
        tpu.yield
      }) : () -> ()
      %scan3A_416 = arith.constant 0 : i32
      %scan3A_417 = arith.constant 0 : i32
      %scan3A_418 = arith.constant 125 : i32
      %scan3A_419 = arith.addi %scan3A_417, %scan3A_418 : i32
      %scan3A_420 = arith.constant 1 : i32
      scf.for %scan3A_422 = %scan3A_417 to %scan3A_419 step %scan3A_420  : i32 {
        %mul3A_423 = arith.constant 16 : i32
        %mul3A_424 = arith.muli %scan3A_422, %mul3A_423 : i32
        %get3A = arith.index_cast %mul3A_424 : i32 to index
        %get3A_425 = tpu.vector_load %arg11[%get3A] {strides = array<i32>} : memref<2000xi32, #tpu.memory_space<vmem>>, vector<16xi32>,
        %get3A_426 = arith.index_cast %mul3A_424 : i32 to index
        %get3A_427 = tpu.vector_load %arg12[%get3A_426] {strides = array<i32>} : memref<2000xi32, #tpu.memory_space<vmem>>, vector<16xi32>,
        %gather3A = tpu.vector_load_idx %arg9[%get3A_425] : memref<50000xf32, #tpu.memory_space<vmem>>[vector<16xi32>], vector<16xf32>,
        %gather3A_428 = tpu.vector_load_idx %arg9[%get3A_427] : memref<50000xf32, #tpu.memory_space<vmem>>[vector<16xi32>], vector<16xf32>,
        %get3A_429 = arith.index_cast %mul3A_424 : i32 to index
        %get3A_430 = tpu.vector_load %arg13[%get3A_429] {strides = array<i32>} : memref<2000xf32, #tpu.memory_space<vmem>>, vector<16xf32>,
        %get3A_431 = arith.index_cast %mul3A_424 : i32 to index
        %get3A_432 = tpu.vector_load %arg14[%get3A_431] {strides = array<i32>} : memref<2000xf32, #tpu.memory_space<vmem>>, vector<16xf32>,
        %sub3A_433 = arith.subf %gather3A, %gather3A_428 : vector<16xf32>
        %mul3A_434 = arith.mulf %get3A_432, %sub3A_433 : vector<16xf32>
        %get3A_435 = arith.index_cast %mul3A_424 : i32 to index
        %get3A_436 = tpu.vector_load %arg15[%get3A_435] {strides = array<i32>} : memref<2000xf32, #tpu.memory_space<vmem>>, vector<16xf32>,
        %add3A_437 = arith.addf %mul3A_434, %get3A_436 : vector<16xf32>
        %max3A = arith.constant 0.000000e+00 : f32
        %max3A_438 = vector.broadcast %max3A : f32 to vector<16xf32>
        %max3A_439 = arith.maximumf %add3A_437, %max3A_438 : vector<16xf32>
        %mul3A_440 = arith.mulf %get3A_430, %max3A_439 : vector<16xf32>
        tpu.vector_store_idx %arg10[%get3A_427], %mul3A_440 {add = true} : memref<50176xf32, #tpu.memory_space<vmem>>[vector<16xi32>], vector<16xf32>,
        %neg3A = arith.constant 0.000000e+00 : f32
        %neg3A_441 = vector.broadcast %neg3A : f32 to vector<16xf32>
        %neg3A_442 = arith.subf %neg3A_441, %mul3A_440 : vector<16xf32>
        tpu.vector_store_idx %arg10[%get3A_425], %neg3A_442 {add = true} : memref<50176xf32, #tpu.memory_space<vmem>>[vector<16xi32>], vector<16xf32>,
      }
      %scan3A_421 = arith.constant 125 : i32
    }
    %scan3A_14 = arith.constant 25 : i32
    %mul3A_15 = arith.constant 3136 : i32
    %mul3A_16 = arith.muli %arg1, %mul3A_15 : i32
    %scan3A_17 = arith.constant 0 : i32
    %scan3A_18 = arith.constant 0 : i32
    %scan3A_19 = arith.constant 196 : i32
    %scan3A_20 = arith.addi %scan3A_18, %scan3A_19 : i32
    %scan3A_21 = arith.constant 1 : i32
    scf.for %scan3A_412 = %scan3A_18 to %scan3A_20 step %scan3A_21  : i32 {
      %mul3A_413 = arith.constant 16 : i32
      %mul3A_414 = arith.muli %scan3A_412, %mul3A_413 : i32
      %add3A_415 = arith.addi %mul3A_16, %mul3A_414 : i32
      %get3A = arith.index_cast %add3A_415 : i32 to index
      %get3A_416 = tpu.vector_load %arg10[%get3A] {strides = array<i32>} : memref<50176xf32, #tpu.memory_space<vmem>>, vector<16xf32>,
      %swap3A = arith.index_cast %mul3A_414 : i32 to index
      %swap3A_417 = tpu.vector_load %arg18[%swap3A] {strides = array<i32>} : memref<3136xf32, #tpu.memory_space<vmem>>, vector<16xf32>,
      tpu.vector_store %arg18[%swap3A], %get3A_416 {strides = array<i32>} : memref<3136xf32, #tpu.memory_space<vmem>>, vector<16xf32>,
    }
    %scan3A_22 = arith.constant 196 : i32
    %add3A_23 = arith.constant 1 : i32
    %add3A_24 = arith.addi %arg1, %add3A_23 : i32
    %rem3A = arith.constant 16 : i32
    %rem3A_25 = arith.remsi %add3A_24, %rem3A : i32
    %add3A_26 = arith.constant 16 : i32
    %add3A_27 = arith.addi %arg1, %add3A_26 : i32
    %sub3A = arith.constant 1 : i32
    %sub3A_28 = arith.subi %add3A_27, %sub3A : i32
    %rem3A_29 = arith.constant 16 : i32
    %rem3A_30 = arith.remsi %sub3A_28, %rem3A_29 : i32
    %mul3A_31 = arith.constant 3136 : i32
    %mul3A_32 = arith.muli %rem3A_25, %mul3A_31 : i32
    %multiple_of3A = tpu.assume_multiple %mul3A_32, 8 : i32
    %mul3A_33 = arith.constant 3136 : i32
    %mul3A_34 = arith.muli %arg1, %mul3A_33 : i32
    "tpu.region"() ({
      %run_scoped3A = tpu.sem_alloc : memref<!tpu.dma_semaphore, #tpu.memory_space<semaphore_mem>>
      %dma_start3A = tpu.memref_slice %arg10[%multiple_of3A] : memref<50176xf32, #tpu.memory_space<vmem>> -> memref<3136xf32, #tpu.memory_space<vmem>>
      %dma_start3A_412 = tpu.memref_slice %arg16[%mul3A_34] : memref<50176xf32, #tpu.memory_space<vmem_shared>> -> memref<3136xf32, #tpu.memory_space<vmem_shared>>
      %dma_start3A_413 = tpu.memref_slice %arg16[%mul3A_34] : memref<50176xf32, #tpu.memory_space<vmem_shared>> -> memref<3136xf32, #tpu.memory_space<vmem_shared>>
      %dma_start3A_414 = tpu.memref_slice %arg10[%multiple_of3A] : memref<50176xf32, #tpu.memory_space<vmem>> -> memref<3136xf32, #tpu.memory_space<vmem>>
      tpu.enqueue_dma source(%dma_start3A_414 : memref<3136xf32, #tpu.memory_space<vmem>>) target(%dma_start3A_413 : memref<3136xf32, #tpu.memory_space<vmem_shared>>) target_semaphore(%run_scoped3A : memref<!tpu.dma_semaphore, #tpu.memory_space<semaphore_mem>>)
      %dma_wait3A = tpu.memref_slice %arg10[%multiple_of3A] : memref<50176xf32, #tpu.memory_space<vmem>> -> memref<3136xf32, #tpu.memory_space<vmem>>
      %dma_wait3A_415 = tpu.memref_slice %arg16[%mul3A_34] : memref<50176xf32, #tpu.memory_space<vmem_shared>> -> memref<3136xf32, #tpu.memory_space<vmem_shared>>
      %dma_wait3A_416 = tpu.memref_slice %arg16[%mul3A_34] : memref<50176xf32, #tpu.memory_space<vmem_shared>> -> memref<3136xf32, #tpu.memory_space<vmem_shared>>
      %dma_wait3A_417 = tpu.memref_slice %arg10[%multiple_of3A] : memref<50176xf32, #tpu.memory_space<vmem>> -> memref<3136xf32, #tpu.memory_space<vmem>>
      tpu.wait_dma2 semaphore(%run_scoped3A : memref<!tpu.dma_semaphore, #tpu.memory_space<semaphore_mem>>) src(%dma_wait3A_417 : memref<3136xf32, #tpu.memory_space<vmem>>) dst(%dma_wait3A_416 : memref<3136xf32, #tpu.memory_space<vmem_shared>>)
      tpu.yield
    }) : () -> ()
    %barrier3A = arith.constant 0 : index
    tpu.barrier barrier_id(%barrier3A)
    %mul3A_35 = arith.constant 3136 : i32
    %mul3A_36 = arith.muli %rem3A_30, %mul3A_35 : i32
    %multiple_of3A_37 = tpu.assume_multiple %mul3A_36, 8 : i32
    "tpu.region"() ({
      %run_scoped3A = tpu.sem_alloc : memref<!tpu.dma_semaphore, #tpu.memory_space<semaphore_mem>>
      %dma_start3A = tpu.memref_slice %arg16[%multiple_of3A_37] : memref<50176xf32, #tpu.memory_space<vmem_shared>> -> memref<3136xf32, #tpu.memory_space<vmem_shared>>
      %dma_start3A_412 = tpu.memref_slice %arg16[%multiple_of3A_37] : memref<50176xf32, #tpu.memory_space<vmem_shared>> -> memref<3136xf32, #tpu.memory_space<vmem_shared>>
      tpu.enqueue_dma source(%dma_start3A_412 : memref<3136xf32, #tpu.memory_space<vmem_shared>>) target(%arg17 : memref<3136xf32, #tpu.memory_space<vmem>>) target_semaphore(%run_scoped3A : memref<!tpu.dma_semaphore, #tpu.memory_space<semaphore_mem>>)
      %dma_wait3A = tpu.memref_slice %arg16[%multiple_of3A_37] : memref<50176xf32, #tpu.memory_space<vmem_shared>> -> memref<3136xf32, #tpu.memory_space<vmem_shared>>
      %dma_wait3A_413 = tpu.memref_slice %arg16[%multiple_of3A_37] : memref<50176xf32, #tpu.memory_space<vmem_shared>> -> memref<3136xf32, #tpu.memory_space<vmem_shared>>
      tpu.wait_dma2 semaphore(%run_scoped3A : memref<!tpu.dma_semaphore, #tpu.memory_space<semaphore_mem>>) src(%dma_wait3A_413 : memref<3136xf32, #tpu.memory_space<vmem_shared>>) dst(%arg17 : memref<3136xf32, #tpu.memory_space<vmem>>)
      tpu.yield
    }) : () -> ()
    %scan3A_38 = arith.constant 0 : i32
    %scan3A_39 = arith.constant 0 : i32
    %scan3A_40 = arith.constant 196 : i32
    %scan3A_41 = arith.addi %scan3A_39, %scan3A_40 : i32
    %scan3A_42 = arith.constant 1 : i32
    scf.for %scan3A_412 = %scan3A_39 to %scan3A_41 step %scan3A_42  : i32 {
      %mul3A_413 = arith.constant 16 : i32
      %mul3A_414 = arith.muli %scan3A_412, %mul3A_413 : i32
      %get3A = arith.index_cast %mul3A_414 : i32 to index
      %get3A_415 = tpu.vector_load %arg18[%get3A] {strides = array<i32>} : memref<3136xf32, #tpu.memory_space<vmem>>, vector<16xf32>,
      %get3A_416 = arith.index_cast %mul3A_414 : i32 to index
      %get3A_417 = tpu.vector_load %arg17[%get3A_416] {strides = array<i32>} : memref<3136xf32, #tpu.memory_space<vmem>>, vector<16xf32>,
      %add3A_418 = arith.addf %get3A_415, %get3A_417 : vector<16xf32>
      %swap3A = arith.index_cast %mul3A_414 : i32 to index
      %swap3A_419 = tpu.vector_load %arg18[%swap3A] {strides = array<i32>} : memref<3136xf32, #tpu.memory_space<vmem>>, vector<16xf32>,
      tpu.vector_store %arg18[%swap3A], %add3A_418 {strides = array<i32>} : memref<3136xf32, #tpu.memory_space<vmem>>, vector<16xf32>,
    }
    %scan3A_43 = arith.constant 196 : i32
    %barrier3A_44 = arith.constant 0 : index
    tpu.barrier barrier_id(%barrier3A_44)
    %add3A_45 = arith.constant 2 : i32
    %add3A_46 = arith.addi %arg1, %add3A_45 : i32
    %rem3A_47 = arith.constant 16 : i32
    %rem3A_48 = arith.remsi %add3A_46, %rem3A_47 : i32
    %add3A_49 = arith.constant 16 : i32
    %add3A_50 = arith.addi %arg1, %add3A_49 : i32
    %sub3A_51 = arith.constant 2 : i32
    %sub3A_52 = arith.subi %add3A_50, %sub3A_51 : i32
    %rem3A_53 = arith.constant 16 : i32
    %rem3A_54 = arith.remsi %sub3A_52, %rem3A_53 : i32
    %mul3A_55 = arith.constant 3136 : i32
    %mul3A_56 = arith.muli %rem3A_48, %mul3A_55 : i32
    %multiple_of3A_57 = tpu.assume_multiple %mul3A_56, 8 : i32
    %mul3A_58 = arith.constant 3136 : i32
    %mul3A_59 = arith.muli %arg1, %mul3A_58 : i32
    "tpu.region"() ({
      %run_scoped3A = tpu.sem_alloc : memref<!tpu.dma_semaphore, #tpu.memory_space<semaphore_mem>>
      %dma_start3A = tpu.memref_slice %arg10[%multiple_of3A_57] : memref<50176xf32, #tpu.memory_space<vmem>> -> memref<3136xf32, #tpu.memory_space<vmem>>
      %dma_start3A_412 = tpu.memref_slice %arg16[%mul3A_59] : memref<50176xf32, #tpu.memory_space<vmem_shared>> -> memref<3136xf32, #tpu.memory_space<vmem_shared>>
      %dma_start3A_413 = tpu.memref_slice %arg16[%mul3A_59] : memref<50176xf32, #tpu.memory_space<vmem_shared>> -> memref<3136xf32, #tpu.memory_space<vmem_shared>>
      %dma_start3A_414 = tpu.memref_slice %arg10[%multiple_of3A_57] : memref<50176xf32, #tpu.memory_space<vmem>> -> memref<3136xf32, #tpu.memory_space<vmem>>
      tpu.enqueue_dma source(%dma_start3A_414 : memref<3136xf32, #tpu.memory_space<vmem>>) target(%dma_start3A_413 : memref<3136xf32, #tpu.memory_space<vmem_shared>>) target_semaphore(%run_scoped3A : memref<!tpu.dma_semaphore, #tpu.memory_space<semaphore_mem>>)
      %dma_wait3A = tpu.memref_slice %arg10[%multiple_of3A_57] : memref<50176xf32, #tpu.memory_space<vmem>> -> memref<3136xf32, #tpu.memory_space<vmem>>
      %dma_wait3A_415 = tpu.memref_slice %arg16[%mul3A_59] : memref<50176xf32, #tpu.memory_space<vmem_shared>> -> memref<3136xf32, #tpu.memory_space<vmem_shared>>
      %dma_wait3A_416 = tpu.memref_slice %arg16[%mul3A_59] : memref<50176xf32, #tpu.memory_space<vmem_shared>> -> memref<3136xf32, #tpu.memory_space<vmem_shared>>
      %dma_wait3A_417 = tpu.memref_slice %arg10[%multiple_of3A_57] : memref<50176xf32, #tpu.memory_space<vmem>> -> memref<3136xf32, #tpu.memory_space<vmem>>
      tpu.wait_dma2 semaphore(%run_scoped3A : memref<!tpu.dma_semaphore, #tpu.memory_space<semaphore_mem>>) src(%dma_wait3A_417 : memref<3136xf32, #tpu.memory_space<vmem>>) dst(%dma_wait3A_416 : memref<3136xf32, #tpu.memory_space<vmem_shared>>)
      tpu.yield
    }) : () -> ()
    %barrier3A_60 = arith.constant 0 : index
    tpu.barrier barrier_id(%barrier3A_60)
    %mul3A_61 = arith.constant 3136 : i32
    %mul3A_62 = arith.muli %rem3A_54, %mul3A_61 : i32
    %multiple_of3A_63 = tpu.assume_multiple %mul3A_62, 8 : i32
    "tpu.region"() ({
      %run_scoped3A = tpu.sem_alloc : memref<!tpu.dma_semaphore, #tpu.memory_space<semaphore_mem>>
      %dma_start3A = tpu.memref_slice %arg16[%multiple_of3A_63] : memref<50176xf32, #tpu.memory_space<vmem_shared>> -> memref<3136xf32, #tpu.memory_space<vmem_shared>>
      %dma_start3A_412 = tpu.memref_slice %arg16[%multiple_of3A_63] : memref<50176xf32, #tpu.memory_space<vmem_shared>> -> memref<3136xf32, #tpu.memory_space<vmem_shared>>
      tpu.enqueue_dma source(%dma_start3A_412 : memref<3136xf32, #tpu.memory_space<vmem_shared>>) target(%arg17 : memref<3136xf32, #tpu.memory_space<vmem>>) target_semaphore(%run_scoped3A : memref<!tpu.dma_semaphore, #tpu.memory_space<semaphore_mem>>)
      %dma_wait3A = tpu.memref_slice %arg16[%multiple_of3A_63] : memref<50176xf32, #tpu.memory_space<vmem_shared>> -> memref<3136xf32, #tpu.memory_space<vmem_shared>>
      %dma_wait3A_413 = tpu.memref_slice %arg16[%multiple_of3A_63] : memref<50176xf32, #tpu.memory_space<vmem_shared>> -> memref<3136xf32, #tpu.memory_space<vmem_shared>>
      tpu.wait_dma2 semaphore(%run_scoped3A : memref<!tpu.dma_semaphore, #tpu.memory_space<semaphore_mem>>) src(%dma_wait3A_413 : memref<3136xf32, #tpu.memory_space<vmem_shared>>) dst(%arg17 : memref<3136xf32, #tpu.memory_space<vmem>>)
      tpu.yield
    }) : () -> ()
    %scan3A_64 = arith.constant 0 : i32
    %scan3A_65 = arith.constant 0 : i32
    %scan3A_66 = arith.constant 196 : i32
    %scan3A_67 = arith.addi %scan3A_65, %scan3A_66 : i32
    %scan3A_68 = arith.constant 1 : i32
    scf.for %scan3A_412 = %scan3A_65 to %scan3A_67 step %scan3A_68  : i32 {
      %mul3A_413 = arith.constant 16 : i32
      %mul3A_414 = arith.muli %scan3A_412, %mul3A_413 : i32
      %get3A = arith.index_cast %mul3A_414 : i32 to index
      %get3A_415 = tpu.vector_load %arg18[%get3A] {strides = array<i32>} : memref<3136xf32, #tpu.memory_space<vmem>>, vector<16xf32>,
      %get3A_416 = arith.index_cast %mul3A_414 : i32 to index
      %get3A_417 = tpu.vector_load %arg17[%get3A_416] {strides = array<i32>} : memref<3136xf32, #tpu.memory_space<vmem>>, vector<16xf32>,
      %add3A_418 = arith.addf %get3A_415, %get3A_417 : vector<16xf32>
      %swap3A = arith.index_cast %mul3A_414 : i32 to index
      %swap3A_419 = tpu.vector_load %arg18[%swap3A] {strides = array<i32>} : memref<3136xf32, #tpu.memory_space<vmem>>, vector<16xf32>,
      tpu.vector_store %arg18[%swap3A], %add3A_418 {strides = array<i32>} : memref<3136xf32, #tpu.memory_space<vmem>>, vector<16xf32>,
    }
    %scan3A_69 = arith.constant 196 : i32
    %barrier3A_70 = arith.constant 0 : index
    tpu.barrier barrier_id(%barrier3A_70)
    %add3A_71 = arith.constant 3 : i32
    %add3A_72 = arith.addi %arg1, %add3A_71 : i32
    %rem3A_73 = arith.constant 16 : i32
    %rem3A_74 = arith.remsi %add3A_72, %rem3A_73 : i32
    %add3A_75 = arith.constant 16 : i32
    %add3A_76 = arith.addi %arg1, %add3A_75 : i32
    %sub3A_77 = arith.constant 3 : i32
    %sub3A_78 = arith.subi %add3A_76, %sub3A_77 : i32
    %rem3A_79 = arith.constant 16 : i32
    %rem3A_80 = arith.remsi %sub3A_78, %rem3A_79 : i32
    %mul3A_81 = arith.constant 3136 : i32
    %mul3A_82 = arith.muli %rem3A_74, %mul3A_81 : i32
    %multiple_of3A_83 = tpu.assume_multiple %mul3A_82, 8 : i32
    %mul3A_84 = arith.constant 3136 : i32
    %mul3A_85 = arith.muli %arg1, %mul3A_84 : i32
    "tpu.region"() ({
      %run_scoped3A = tpu.sem_alloc : memref<!tpu.dma_semaphore, #tpu.memory_space<semaphore_mem>>
      %dma_start3A = tpu.memref_slice %arg10[%multiple_of3A_83] : memref<50176xf32, #tpu.memory_space<vmem>> -> memref<3136xf32, #tpu.memory_space<vmem>>
      %dma_start3A_412 = tpu.memref_slice %arg16[%mul3A_85] : memref<50176xf32, #tpu.memory_space<vmem_shared>> -> memref<3136xf32, #tpu.memory_space<vmem_shared>>
      %dma_start3A_413 = tpu.memref_slice %arg16[%mul3A_85] : memref<50176xf32, #tpu.memory_space<vmem_shared>> -> memref<3136xf32, #tpu.memory_space<vmem_shared>>
      %dma_start3A_414 = tpu.memref_slice %arg10[%multiple_of3A_83] : memref<50176xf32, #tpu.memory_space<vmem>> -> memref<3136xf32, #tpu.memory_space<vmem>>
      tpu.enqueue_dma source(%dma_start3A_414 : memref<3136xf32, #tpu.memory_space<vmem>>) target(%dma_start3A_413 : memref<3136xf32, #tpu.memory_space<vmem_shared>>) target_semaphore(%run_scoped3A : memref<!tpu.dma_semaphore, #tpu.memory_space<semaphore_mem>>)
      %dma_wait3A = tpu.memref_slice %arg10[%multiple_of3A_83] : memref<50176xf32, #tpu.memory_space<vmem>> -> memref<3136xf32, #tpu.memory_space<vmem>>
      %dma_wait3A_415 = tpu.memref_slice %arg16[%mul3A_85] : memref<50176xf32, #tpu.memory_space<vmem_shared>> -> memref<3136xf32, #tpu.memory_space<vmem_shared>>
      %dma_wait3A_416 = tpu.memref_slice %arg16[%mul3A_85] : memref<50176xf32, #tpu.memory_space<vmem_shared>> -> memref<3136xf32, #tpu.memory_space<vmem_shared>>
      %dma_wait3A_417 = tpu.memref_slice %arg10[%multiple_of3A_83] : memref<50176xf32, #tpu.memory_space<vmem>> -> memref<3136xf32, #tpu.memory_space<vmem>>
      tpu.wait_dma2 semaphore(%run_scoped3A : memref<!tpu.dma_semaphore, #tpu.memory_space<semaphore_mem>>) src(%dma_wait3A_417 : memref<3136xf32, #tpu.memory_space<vmem>>) dst(%dma_wait3A_416 : memref<3136xf32, #tpu.memory_space<vmem_shared>>)
      tpu.yield
    }) : () -> ()
    %barrier3A_86 = arith.constant 0 : index
    tpu.barrier barrier_id(%barrier3A_86)
    %mul3A_87 = arith.constant 3136 : i32
    %mul3A_88 = arith.muli %rem3A_80, %mul3A_87 : i32
    %multiple_of3A_89 = tpu.assume_multiple %mul3A_88, 8 : i32
    "tpu.region"() ({
      %run_scoped3A = tpu.sem_alloc : memref<!tpu.dma_semaphore, #tpu.memory_space<semaphore_mem>>
      %dma_start3A = tpu.memref_slice %arg16[%multiple_of3A_89] : memref<50176xf32, #tpu.memory_space<vmem_shared>> -> memref<3136xf32, #tpu.memory_space<vmem_shared>>
      %dma_start3A_412 = tpu.memref_slice %arg16[%multiple_of3A_89] : memref<50176xf32, #tpu.memory_space<vmem_shared>> -> memref<3136xf32, #tpu.memory_space<vmem_shared>>
      tpu.enqueue_dma source(%dma_start3A_412 : memref<3136xf32, #tpu.memory_space<vmem_shared>>) target(%arg17 : memref<3136xf32, #tpu.memory_space<vmem>>) target_semaphore(%run_scoped3A : memref<!tpu.dma_semaphore, #tpu.memory_space<semaphore_mem>>)
      %dma_wait3A = tpu.memref_slice %arg16[%multiple_of3A_89] : memref<50176xf32, #tpu.memory_space<vmem_shared>> -> memref<3136xf32, #tpu.memory_space<vmem_shared>>
      %dma_wait3A_413 = tpu.memref_slice %arg16[%multiple_of3A_89] : memref<50176xf32, #tpu.memory_space<vmem_shared>> -> memref<3136xf32, #tpu.memory_space<vmem_shared>>
      tpu.wait_dma2 semaphore(%run_scoped3A : memref<!tpu.dma_semaphore, #tpu.memory_space<semaphore_mem>>) src(%dma_wait3A_413 : memref<3136xf32, #tpu.memory_space<vmem_shared>>) dst(%arg17 : memref<3136xf32, #tpu.memory_space<vmem>>)
      tpu.yield
    }) : () -> ()
    %scan3A_90 = arith.constant 0 : i32
    %scan3A_91 = arith.constant 0 : i32
    %scan3A_92 = arith.constant 196 : i32
    %scan3A_93 = arith.addi %scan3A_91, %scan3A_92 : i32
    %scan3A_94 = arith.constant 1 : i32
    scf.for %scan3A_412 = %scan3A_91 to %scan3A_93 step %scan3A_94  : i32 {
      %mul3A_413 = arith.constant 16 : i32
      %mul3A_414 = arith.muli %scan3A_412, %mul3A_413 : i32
      %get3A = arith.index_cast %mul3A_414 : i32 to index
      %get3A_415 = tpu.vector_load %arg18[%get3A] {strides = array<i32>} : memref<3136xf32, #tpu.memory_space<vmem>>, vector<16xf32>,
      %get3A_416 = arith.index_cast %mul3A_414 : i32 to index
      %get3A_417 = tpu.vector_load %arg17[%get3A_416] {strides = array<i32>} : memref<3136xf32, #tpu.memory_space<vmem>>, vector<16xf32>,
      %add3A_418 = arith.addf %get3A_415, %get3A_417 : vector<16xf32>
      %swap3A = arith.index_cast %mul3A_414 : i32 to index
      %swap3A_419 = tpu.vector_load %arg18[%swap3A] {strides = array<i32>} : memref<3136xf32, #tpu.memory_space<vmem>>, vector<16xf32>,
      tpu.vector_store %arg18[%swap3A], %add3A_418 {strides = array<i32>} : memref<3136xf32, #tpu.memory_space<vmem>>, vector<16xf32>,
    }
    %scan3A_95 = arith.constant 196 : i32
    %barrier3A_96 = arith.constant 0 : index
    tpu.barrier barrier_id(%barrier3A_96)
    %add3A_97 = arith.constant 4 : i32
    %add3A_98 = arith.addi %arg1, %add3A_97 : i32
    %rem3A_99 = arith.constant 16 : i32
    %rem3A_100 = arith.remsi %add3A_98, %rem3A_99 : i32
    %add3A_101 = arith.constant 16 : i32
    %add3A_102 = arith.addi %arg1, %add3A_101 : i32
    %sub3A_103 = arith.constant 4 : i32
    %sub3A_104 = arith.subi %add3A_102, %sub3A_103 : i32
    %rem3A_105 = arith.constant 16 : i32
    %rem3A_106 = arith.remsi %sub3A_104, %rem3A_105 : i32
    %mul3A_107 = arith.constant 3136 : i32
    %mul3A_108 = arith.muli %rem3A_100, %mul3A_107 : i32
    %multiple_of3A_109 = tpu.assume_multiple %mul3A_108, 8 : i32
    %mul3A_110 = arith.constant 3136 : i32
    %mul3A_111 = arith.muli %arg1, %mul3A_110 : i32
    "tpu.region"() ({
      %run_scoped3A = tpu.sem_alloc : memref<!tpu.dma_semaphore, #tpu.memory_space<semaphore_mem>>
      %dma_start3A = tpu.memref_slice %arg10[%multiple_of3A_109] : memref<50176xf32, #tpu.memory_space<vmem>> -> memref<3136xf32, #tpu.memory_space<vmem>>
      %dma_start3A_412 = tpu.memref_slice %arg16[%mul3A_111] : memref<50176xf32, #tpu.memory_space<vmem_shared>> -> memref<3136xf32, #tpu.memory_space<vmem_shared>>
      %dma_start3A_413 = tpu.memref_slice %arg16[%mul3A_111] : memref<50176xf32, #tpu.memory_space<vmem_shared>> -> memref<3136xf32, #tpu.memory_space<vmem_shared>>
      %dma_start3A_414 = tpu.memref_slice %arg10[%multiple_of3A_109] : memref<50176xf32, #tpu.memory_space<vmem>> -> memref<3136xf32, #tpu.memory_space<vmem>>
      tpu.enqueue_dma source(%dma_start3A_414 : memref<3136xf32, #tpu.memory_space<vmem>>) target(%dma_start3A_413 : memref<3136xf32, #tpu.memory_space<vmem_shared>>) target_semaphore(%run_scoped3A : memref<!tpu.dma_semaphore, #tpu.memory_space<semaphore_mem>>)
      %dma_wait3A = tpu.memref_slice %arg10[%multiple_of3A_109] : memref<50176xf32, #tpu.memory_space<vmem>> -> memref<3136xf32, #tpu.memory_space<vmem>>
      %dma_wait3A_415 = tpu.memref_slice %arg16[%mul3A_111] : memref<50176xf32, #tpu.memory_space<vmem_shared>> -> memref<3136xf32, #tpu.memory_space<vmem_shared>>
      %dma_wait3A_416 = tpu.memref_slice %arg16[%mul3A_111] : memref<50176xf32, #tpu.memory_space<vmem_shared>> -> memref<3136xf32, #tpu.memory_space<vmem_shared>>
      %dma_wait3A_417 = tpu.memref_slice %arg10[%multiple_of3A_109] : memref<50176xf32, #tpu.memory_space<vmem>> -> memref<3136xf32, #tpu.memory_space<vmem>>
      tpu.wait_dma2 semaphore(%run_scoped3A : memref<!tpu.dma_semaphore, #tpu.memory_space<semaphore_mem>>) src(%dma_wait3A_417 : memref<3136xf32, #tpu.memory_space<vmem>>) dst(%dma_wait3A_416 : memref<3136xf32, #tpu.memory_space<vmem_shared>>)
      tpu.yield
    }) : () -> ()
    %barrier3A_112 = arith.constant 0 : index
    tpu.barrier barrier_id(%barrier3A_112)
    %mul3A_113 = arith.constant 3136 : i32
    %mul3A_114 = arith.muli %rem3A_106, %mul3A_113 : i32
    %multiple_of3A_115 = tpu.assume_multiple %mul3A_114, 8 : i32
    "tpu.region"() ({
      %run_scoped3A = tpu.sem_alloc : memref<!tpu.dma_semaphore, #tpu.memory_space<semaphore_mem>>
      %dma_start3A = tpu.memref_slice %arg16[%multiple_of3A_115] : memref<50176xf32, #tpu.memory_space<vmem_shared>> -> memref<3136xf32, #tpu.memory_space<vmem_shared>>
      %dma_start3A_412 = tpu.memref_slice %arg16[%multiple_of3A_115] : memref<50176xf32, #tpu.memory_space<vmem_shared>> -> memref<3136xf32, #tpu.memory_space<vmem_shared>>
      tpu.enqueue_dma source(%dma_start3A_412 : memref<3136xf32, #tpu.memory_space<vmem_shared>>) target(%arg17 : memref<3136xf32, #tpu.memory_space<vmem>>) target_semaphore(%run_scoped3A : memref<!tpu.dma_semaphore, #tpu.memory_space<semaphore_mem>>)
      %dma_wait3A = tpu.memref_slice %arg16[%multiple_of3A_115] : memref<50176xf32, #tpu.memory_space<vmem_shared>> -> memref<3136xf32, #tpu.memory_space<vmem_shared>>
      %dma_wait3A_413 = tpu.memref_slice %arg16[%multiple_of3A_115] : memref<50176xf32, #tpu.memory_space<vmem_shared>> -> memref<3136xf32, #tpu.memory_space<vmem_shared>>
      tpu.wait_dma2 semaphore(%run_scoped3A : memref<!tpu.dma_semaphore, #tpu.memory_space<semaphore_mem>>) src(%dma_wait3A_413 : memref<3136xf32, #tpu.memory_space<vmem_shared>>) dst(%arg17 : memref<3136xf32, #tpu.memory_space<vmem>>)
      tpu.yield
    }) : () -> ()
    %scan3A_116 = arith.constant 0 : i32
    %scan3A_117 = arith.constant 0 : i32
    %scan3A_118 = arith.constant 196 : i32
    %scan3A_119 = arith.addi %scan3A_117, %scan3A_118 : i32
    %scan3A_120 = arith.constant 1 : i32
    scf.for %scan3A_412 = %scan3A_117 to %scan3A_119 step %scan3A_120  : i32 {
      %mul3A_413 = arith.constant 16 : i32
      %mul3A_414 = arith.muli %scan3A_412, %mul3A_413 : i32
      %get3A = arith.index_cast %mul3A_414 : i32 to index
      %get3A_415 = tpu.vector_load %arg18[%get3A] {strides = array<i32>} : memref<3136xf32, #tpu.memory_space<vmem>>, vector<16xf32>,
      %get3A_416 = arith.index_cast %mul3A_414 : i32 to index
      %get3A_417 = tpu.vector_load %arg17[%get3A_416] {strides = array<i32>} : memref<3136xf32, #tpu.memory_space<vmem>>, vector<16xf32>,
      %add3A_418 = arith.addf %get3A_415, %get3A_417 : vector<16xf32>
      %swap3A = arith.index_cast %mul3A_414 : i32 to index
      %swap3A_419 = tpu.vector_load %arg18[%swap3A] {strides = array<i32>} : memref<3136xf32, #tpu.memory_space<vmem>>, vector<16xf32>,
      tpu.vector_store %arg18[%swap3A], %add3A_418 {strides = array<i32>} : memref<3136xf32, #tpu.memory_space<vmem>>, vector<16xf32>,
    }
    %scan3A_121 = arith.constant 196 : i32
    %barrier3A_122 = arith.constant 0 : index
    tpu.barrier barrier_id(%barrier3A_122)
    %add3A_123 = arith.constant 5 : i32
    %add3A_124 = arith.addi %arg1, %add3A_123 : i32
    %rem3A_125 = arith.constant 16 : i32
    %rem3A_126 = arith.remsi %add3A_124, %rem3A_125 : i32
    %add3A_127 = arith.constant 16 : i32
    %add3A_128 = arith.addi %arg1, %add3A_127 : i32
    %sub3A_129 = arith.constant 5 : i32
    %sub3A_130 = arith.subi %add3A_128, %sub3A_129 : i32
    %rem3A_131 = arith.constant 16 : i32
    %rem3A_132 = arith.remsi %sub3A_130, %rem3A_131 : i32
    %mul3A_133 = arith.constant 3136 : i32
    %mul3A_134 = arith.muli %rem3A_126, %mul3A_133 : i32
    %multiple_of3A_135 = tpu.assume_multiple %mul3A_134, 8 : i32
    %mul3A_136 = arith.constant 3136 : i32
    %mul3A_137 = arith.muli %arg1, %mul3A_136 : i32
    "tpu.region"() ({
      %run_scoped3A = tpu.sem_alloc : memref<!tpu.dma_semaphore, #tpu.memory_space<semaphore_mem>>
      %dma_start3A = tpu.memref_slice %arg10[%multiple_of3A_135] : memref<50176xf32, #tpu.memory_space<vmem>> -> memref<3136xf32, #tpu.memory_space<vmem>>
      %dma_start3A_412 = tpu.memref_slice %arg16[%mul3A_137] : memref<50176xf32, #tpu.memory_space<vmem_shared>> -> memref<3136xf32, #tpu.memory_space<vmem_shared>>
      %dma_start3A_413 = tpu.memref_slice %arg16[%mul3A_137] : memref<50176xf32, #tpu.memory_space<vmem_shared>> -> memref<3136xf32, #tpu.memory_space<vmem_shared>>
      %dma_start3A_414 = tpu.memref_slice %arg10[%multiple_of3A_135] : memref<50176xf32, #tpu.memory_space<vmem>> -> memref<3136xf32, #tpu.memory_space<vmem>>
      tpu.enqueue_dma source(%dma_start3A_414 : memref<3136xf32, #tpu.memory_space<vmem>>) target(%dma_start3A_413 : memref<3136xf32, #tpu.memory_space<vmem_shared>>) target_semaphore(%run_scoped3A : memref<!tpu.dma_semaphore, #tpu.memory_space<semaphore_mem>>)
      %dma_wait3A = tpu.memref_slice %arg10[%multiple_of3A_135] : memref<50176xf32, #tpu.memory_space<vmem>> -> memref<3136xf32, #tpu.memory_space<vmem>>
      %dma_wait3A_415 = tpu.memref_slice %arg16[%mul3A_137] : memref<50176xf32, #tpu.memory_space<vmem_shared>> -> memref<3136xf32, #tpu.memory_space<vmem_shared>>
      %dma_wait3A_416 = tpu.memref_slice %arg16[%mul3A_137] : memref<50176xf32, #tpu.memory_space<vmem_shared>> -> memref<3136xf32, #tpu.memory_space<vmem_shared>>
      %dma_wait3A_417 = tpu.memref_slice %arg10[%multiple_of3A_135] : memref<50176xf32, #tpu.memory_space<vmem>> -> memref<3136xf32, #tpu.memory_space<vmem>>
      tpu.wait_dma2 semaphore(%run_scoped3A : memref<!tpu.dma_semaphore, #tpu.memory_space<semaphore_mem>>) src(%dma_wait3A_417 : memref<3136xf32, #tpu.memory_space<vmem>>) dst(%dma_wait3A_416 : memref<3136xf32, #tpu.memory_space<vmem_shared>>)
      tpu.yield
    }) : () -> ()
    %barrier3A_138 = arith.constant 0 : index
    tpu.barrier barrier_id(%barrier3A_138)
    %mul3A_139 = arith.constant 3136 : i32
    %mul3A_140 = arith.muli %rem3A_132, %mul3A_139 : i32
    %multiple_of3A_141 = tpu.assume_multiple %mul3A_140, 8 : i32
    "tpu.region"() ({
      %run_scoped3A = tpu.sem_alloc : memref<!tpu.dma_semaphore, #tpu.memory_space<semaphore_mem>>
      %dma_start3A = tpu.memref_slice %arg16[%multiple_of3A_141] : memref<50176xf32, #tpu.memory_space<vmem_shared>> -> memref<3136xf32, #tpu.memory_space<vmem_shared>>
      %dma_start3A_412 = tpu.memref_slice %arg16[%multiple_of3A_141] : memref<50176xf32, #tpu.memory_space<vmem_shared>> -> memref<3136xf32, #tpu.memory_space<vmem_shared>>
      tpu.enqueue_dma source(%dma_start3A_412 : memref<3136xf32, #tpu.memory_space<vmem_shared>>) target(%arg17 : memref<3136xf32, #tpu.memory_space<vmem>>) target_semaphore(%run_scoped3A : memref<!tpu.dma_semaphore, #tpu.memory_space<semaphore_mem>>)
      %dma_wait3A = tpu.memref_slice %arg16[%multiple_of3A_141] : memref<50176xf32, #tpu.memory_space<vmem_shared>> -> memref<3136xf32, #tpu.memory_space<vmem_shared>>
      %dma_wait3A_413 = tpu.memref_slice %arg16[%multiple_of3A_141] : memref<50176xf32, #tpu.memory_space<vmem_shared>> -> memref<3136xf32, #tpu.memory_space<vmem_shared>>
      tpu.wait_dma2 semaphore(%run_scoped3A : memref<!tpu.dma_semaphore, #tpu.memory_space<semaphore_mem>>) src(%dma_wait3A_413 : memref<3136xf32, #tpu.memory_space<vmem_shared>>) dst(%arg17 : memref<3136xf32, #tpu.memory_space<vmem>>)
      tpu.yield
    }) : () -> ()
    %scan3A_142 = arith.constant 0 : i32
    %scan3A_143 = arith.constant 0 : i32
    %scan3A_144 = arith.constant 196 : i32
    %scan3A_145 = arith.addi %scan3A_143, %scan3A_144 : i32
    %scan3A_146 = arith.constant 1 : i32
    scf.for %scan3A_412 = %scan3A_143 to %scan3A_145 step %scan3A_146  : i32 {
      %mul3A_413 = arith.constant 16 : i32
      %mul3A_414 = arith.muli %scan3A_412, %mul3A_413 : i32
      %get3A = arith.index_cast %mul3A_414 : i32 to index
      %get3A_415 = tpu.vector_load %arg18[%get3A] {strides = array<i32>} : memref<3136xf32, #tpu.memory_space<vmem>>, vector<16xf32>,
      %get3A_416 = arith.index_cast %mul3A_414 : i32 to index
      %get3A_417 = tpu.vector_load %arg17[%get3A_416] {strides = array<i32>} : memref<3136xf32, #tpu.memory_space<vmem>>, vector<16xf32>,
      %add3A_418 = arith.addf %get3A_415, %get3A_417 : vector<16xf32>
      %swap3A = arith.index_cast %mul3A_414 : i32 to index
      %swap3A_419 = tpu.vector_load %arg18[%swap3A] {strides = array<i32>} : memref<3136xf32, #tpu.memory_space<vmem>>, vector<16xf32>,
      tpu.vector_store %arg18[%swap3A], %add3A_418 {strides = array<i32>} : memref<3136xf32, #tpu.memory_space<vmem>>, vector<16xf32>,
    }
    %scan3A_147 = arith.constant 196 : i32
    %barrier3A_148 = arith.constant 0 : index
    tpu.barrier barrier_id(%barrier3A_148)
    %add3A_149 = arith.constant 6 : i32
    %add3A_150 = arith.addi %arg1, %add3A_149 : i32
    %rem3A_151 = arith.constant 16 : i32
    %rem3A_152 = arith.remsi %add3A_150, %rem3A_151 : i32
    %add3A_153 = arith.constant 16 : i32
    %add3A_154 = arith.addi %arg1, %add3A_153 : i32
    %sub3A_155 = arith.constant 6 : i32
    %sub3A_156 = arith.subi %add3A_154, %sub3A_155 : i32
    %rem3A_157 = arith.constant 16 : i32
    %rem3A_158 = arith.remsi %sub3A_156, %rem3A_157 : i32
    %mul3A_159 = arith.constant 3136 : i32
    %mul3A_160 = arith.muli %rem3A_152, %mul3A_159 : i32
    %multiple_of3A_161 = tpu.assume_multiple %mul3A_160, 8 : i32
    %mul3A_162 = arith.constant 3136 : i32
    %mul3A_163 = arith.muli %arg1, %mul3A_162 : i32
    "tpu.region"() ({
      %run_scoped3A = tpu.sem_alloc : memref<!tpu.dma_semaphore, #tpu.memory_space<semaphore_mem>>
      %dma_start3A = tpu.memref_slice %arg10[%multiple_of3A_161] : memref<50176xf32, #tpu.memory_space<vmem>> -> memref<3136xf32, #tpu.memory_space<vmem>>
      %dma_start3A_412 = tpu.memref_slice %arg16[%mul3A_163] : memref<50176xf32, #tpu.memory_space<vmem_shared>> -> memref<3136xf32, #tpu.memory_space<vmem_shared>>
      %dma_start3A_413 = tpu.memref_slice %arg16[%mul3A_163] : memref<50176xf32, #tpu.memory_space<vmem_shared>> -> memref<3136xf32, #tpu.memory_space<vmem_shared>>
      %dma_start3A_414 = tpu.memref_slice %arg10[%multiple_of3A_161] : memref<50176xf32, #tpu.memory_space<vmem>> -> memref<3136xf32, #tpu.memory_space<vmem>>
      tpu.enqueue_dma source(%dma_start3A_414 : memref<3136xf32, #tpu.memory_space<vmem>>) target(%dma_start3A_413 : memref<3136xf32, #tpu.memory_space<vmem_shared>>) target_semaphore(%run_scoped3A : memref<!tpu.dma_semaphore, #tpu.memory_space<semaphore_mem>>)
      %dma_wait3A = tpu.memref_slice %arg10[%multiple_of3A_161] : memref<50176xf32, #tpu.memory_space<vmem>> -> memref<3136xf32, #tpu.memory_space<vmem>>
      %dma_wait3A_415 = tpu.memref_slice %arg16[%mul3A_163] : memref<50176xf32, #tpu.memory_space<vmem_shared>> -> memref<3136xf32, #tpu.memory_space<vmem_shared>>
      %dma_wait3A_416 = tpu.memref_slice %arg16[%mul3A_163] : memref<50176xf32, #tpu.memory_space<vmem_shared>> -> memref<3136xf32, #tpu.memory_space<vmem_shared>>
      %dma_wait3A_417 = tpu.memref_slice %arg10[%multiple_of3A_161] : memref<50176xf32, #tpu.memory_space<vmem>> -> memref<3136xf32, #tpu.memory_space<vmem>>
      tpu.wait_dma2 semaphore(%run_scoped3A : memref<!tpu.dma_semaphore, #tpu.memory_space<semaphore_mem>>) src(%dma_wait3A_417 : memref<3136xf32, #tpu.memory_space<vmem>>) dst(%dma_wait3A_416 : memref<3136xf32, #tpu.memory_space<vmem_shared>>)
      tpu.yield
    }) : () -> ()
    %barrier3A_164 = arith.constant 0 : index
    tpu.barrier barrier_id(%barrier3A_164)
    %mul3A_165 = arith.constant 3136 : i32
    %mul3A_166 = arith.muli %rem3A_158, %mul3A_165 : i32
    %multiple_of3A_167 = tpu.assume_multiple %mul3A_166, 8 : i32
    "tpu.region"() ({
      %run_scoped3A = tpu.sem_alloc : memref<!tpu.dma_semaphore, #tpu.memory_space<semaphore_mem>>
      %dma_start3A = tpu.memref_slice %arg16[%multiple_of3A_167] : memref<50176xf32, #tpu.memory_space<vmem_shared>> -> memref<3136xf32, #tpu.memory_space<vmem_shared>>
      %dma_start3A_412 = tpu.memref_slice %arg16[%multiple_of3A_167] : memref<50176xf32, #tpu.memory_space<vmem_shared>> -> memref<3136xf32, #tpu.memory_space<vmem_shared>>
      tpu.enqueue_dma source(%dma_start3A_412 : memref<3136xf32, #tpu.memory_space<vmem_shared>>) target(%arg17 : memref<3136xf32, #tpu.memory_space<vmem>>) target_semaphore(%run_scoped3A : memref<!tpu.dma_semaphore, #tpu.memory_space<semaphore_mem>>)
      %dma_wait3A = tpu.memref_slice %arg16[%multiple_of3A_167] : memref<50176xf32, #tpu.memory_space<vmem_shared>> -> memref<3136xf32, #tpu.memory_space<vmem_shared>>
      %dma_wait3A_413 = tpu.memref_slice %arg16[%multiple_of3A_167] : memref<50176xf32, #tpu.memory_space<vmem_shared>> -> memref<3136xf32, #tpu.memory_space<vmem_shared>>
      tpu.wait_dma2 semaphore(%run_scoped3A : memref<!tpu.dma_semaphore, #tpu.memory_space<semaphore_mem>>) src(%dma_wait3A_413 : memref<3136xf32, #tpu.memory_space<vmem_shared>>) dst(%arg17 : memref<3136xf32, #tpu.memory_space<vmem>>)
      tpu.yield
    }) : () -> ()
    %scan3A_168 = arith.constant 0 : i32
    %scan3A_169 = arith.constant 0 : i32
    %scan3A_170 = arith.constant 196 : i32
    %scan3A_171 = arith.addi %scan3A_169, %scan3A_170 : i32
    %scan3A_172 = arith.constant 1 : i32
    scf.for %scan3A_412 = %scan3A_169 to %scan3A_171 step %scan3A_172  : i32 {
      %mul3A_413 = arith.constant 16 : i32
      %mul3A_414 = arith.muli %scan3A_412, %mul3A_413 : i32
      %get3A = arith.index_cast %mul3A_414 : i32 to index
      %get3A_415 = tpu.vector_load %arg18[%get3A] {strides = array<i32>} : memref<3136xf32, #tpu.memory_space<vmem>>, vector<16xf32>,
      %get3A_416 = arith.index_cast %mul3A_414 : i32 to index
      %get3A_417 = tpu.vector_load %arg17[%get3A_416] {strides = array<i32>} : memref<3136xf32, #tpu.memory_space<vmem>>, vector<16xf32>,
      %add3A_418 = arith.addf %get3A_415, %get3A_417 : vector<16xf32>
      %swap3A = arith.index_cast %mul3A_414 : i32 to index
      %swap3A_419 = tpu.vector_load %arg18[%swap3A] {strides = array<i32>} : memref<3136xf32, #tpu.memory_space<vmem>>, vector<16xf32>,
      tpu.vector_store %arg18[%swap3A], %add3A_418 {strides = array<i32>} : memref<3136xf32, #tpu.memory_space<vmem>>, vector<16xf32>,
    }
    %scan3A_173 = arith.constant 196 : i32
    %barrier3A_174 = arith.constant 0 : index
    tpu.barrier barrier_id(%barrier3A_174)
    %add3A_175 = arith.constant 7 : i32
    %add3A_176 = arith.addi %arg1, %add3A_175 : i32
    %rem3A_177 = arith.constant 16 : i32
    %rem3A_178 = arith.remsi %add3A_176, %rem3A_177 : i32
    %add3A_179 = arith.constant 16 : i32
    %add3A_180 = arith.addi %arg1, %add3A_179 : i32
    %sub3A_181 = arith.constant 7 : i32
    %sub3A_182 = arith.subi %add3A_180, %sub3A_181 : i32
    %rem3A_183 = arith.constant 16 : i32
    %rem3A_184 = arith.remsi %sub3A_182, %rem3A_183 : i32
    %mul3A_185 = arith.constant 3136 : i32
    %mul3A_186 = arith.muli %rem3A_178, %mul3A_185 : i32
    %multiple_of3A_187 = tpu.assume_multiple %mul3A_186, 8 : i32
    %mul3A_188 = arith.constant 3136 : i32
    %mul3A_189 = arith.muli %arg1, %mul3A_188 : i32
    "tpu.region"() ({
      %run_scoped3A = tpu.sem_alloc : memref<!tpu.dma_semaphore, #tpu.memory_space<semaphore_mem>>
      %dma_start3A = tpu.memref_slice %arg10[%multiple_of3A_187] : memref<50176xf32, #tpu.memory_space<vmem>> -> memref<3136xf32, #tpu.memory_space<vmem>>
      %dma_start3A_412 = tpu.memref_slice %arg16[%mul3A_189] : memref<50176xf32, #tpu.memory_space<vmem_shared>> -> memref<3136xf32, #tpu.memory_space<vmem_shared>>
      %dma_start3A_413 = tpu.memref_slice %arg16[%mul3A_189] : memref<50176xf32, #tpu.memory_space<vmem_shared>> -> memref<3136xf32, #tpu.memory_space<vmem_shared>>
      %dma_start3A_414 = tpu.memref_slice %arg10[%multiple_of3A_187] : memref<50176xf32, #tpu.memory_space<vmem>> -> memref<3136xf32, #tpu.memory_space<vmem>>
      tpu.enqueue_dma source(%dma_start3A_414 : memref<3136xf32, #tpu.memory_space<vmem>>) target(%dma_start3A_413 : memref<3136xf32, #tpu.memory_space<vmem_shared>>) target_semaphore(%run_scoped3A : memref<!tpu.dma_semaphore, #tpu.memory_space<semaphore_mem>>)
      %dma_wait3A = tpu.memref_slice %arg10[%multiple_of3A_187] : memref<50176xf32, #tpu.memory_space<vmem>> -> memref<3136xf32, #tpu.memory_space<vmem>>
      %dma_wait3A_415 = tpu.memref_slice %arg16[%mul3A_189] : memref<50176xf32, #tpu.memory_space<vmem_shared>> -> memref<3136xf32, #tpu.memory_space<vmem_shared>>
      %dma_wait3A_416 = tpu.memref_slice %arg16[%mul3A_189] : memref<50176xf32, #tpu.memory_space<vmem_shared>> -> memref<3136xf32, #tpu.memory_space<vmem_shared>>
      %dma_wait3A_417 = tpu.memref_slice %arg10[%multiple_of3A_187] : memref<50176xf32, #tpu.memory_space<vmem>> -> memref<3136xf32, #tpu.memory_space<vmem>>
      tpu.wait_dma2 semaphore(%run_scoped3A : memref<!tpu.dma_semaphore, #tpu.memory_space<semaphore_mem>>) src(%dma_wait3A_417 : memref<3136xf32, #tpu.memory_space<vmem>>) dst(%dma_wait3A_416 : memref<3136xf32, #tpu.memory_space<vmem_shared>>)
      tpu.yield
    }) : () -> ()
    %barrier3A_190 = arith.constant 0 : index
    tpu.barrier barrier_id(%barrier3A_190)
    %mul3A_191 = arith.constant 3136 : i32
    %mul3A_192 = arith.muli %rem3A_184, %mul3A_191 : i32
    %multiple_of3A_193 = tpu.assume_multiple %mul3A_192, 8 : i32
    "tpu.region"() ({
      %run_scoped3A = tpu.sem_alloc : memref<!tpu.dma_semaphore, #tpu.memory_space<semaphore_mem>>
      %dma_start3A = tpu.memref_slice %arg16[%multiple_of3A_193] : memref<50176xf32, #tpu.memory_space<vmem_shared>> -> memref<3136xf32, #tpu.memory_space<vmem_shared>>
      %dma_start3A_412 = tpu.memref_slice %arg16[%multiple_of3A_193] : memref<50176xf32, #tpu.memory_space<vmem_shared>> -> memref<3136xf32, #tpu.memory_space<vmem_shared>>
      tpu.enqueue_dma source(%dma_start3A_412 : memref<3136xf32, #tpu.memory_space<vmem_shared>>) target(%arg17 : memref<3136xf32, #tpu.memory_space<vmem>>) target_semaphore(%run_scoped3A : memref<!tpu.dma_semaphore, #tpu.memory_space<semaphore_mem>>)
      %dma_wait3A = tpu.memref_slice %arg16[%multiple_of3A_193] : memref<50176xf32, #tpu.memory_space<vmem_shared>> -> memref<3136xf32, #tpu.memory_space<vmem_shared>>
      %dma_wait3A_413 = tpu.memref_slice %arg16[%multiple_of3A_193] : memref<50176xf32, #tpu.memory_space<vmem_shared>> -> memref<3136xf32, #tpu.memory_space<vmem_shared>>
      tpu.wait_dma2 semaphore(%run_scoped3A : memref<!tpu.dma_semaphore, #tpu.memory_space<semaphore_mem>>) src(%dma_wait3A_413 : memref<3136xf32, #tpu.memory_space<vmem_shared>>) dst(%arg17 : memref<3136xf32, #tpu.memory_space<vmem>>)
      tpu.yield
    }) : () -> ()
    %scan3A_194 = arith.constant 0 : i32
    %scan3A_195 = arith.constant 0 : i32
    %scan3A_196 = arith.constant 196 : i32
    %scan3A_197 = arith.addi %scan3A_195, %scan3A_196 : i32
    %scan3A_198 = arith.constant 1 : i32
    scf.for %scan3A_412 = %scan3A_195 to %scan3A_197 step %scan3A_198  : i32 {
      %mul3A_413 = arith.constant 16 : i32
      %mul3A_414 = arith.muli %scan3A_412, %mul3A_413 : i32
      %get3A = arith.index_cast %mul3A_414 : i32 to index
      %get3A_415 = tpu.vector_load %arg18[%get3A] {strides = array<i32>} : memref<3136xf32, #tpu.memory_space<vmem>>, vector<16xf32>,
      %get3A_416 = arith.index_cast %mul3A_414 : i32 to index
      %get3A_417 = tpu.vector_load %arg17[%get3A_416] {strides = array<i32>} : memref<3136xf32, #tpu.memory_space<vmem>>, vector<16xf32>,
      %add3A_418 = arith.addf %get3A_415, %get3A_417 : vector<16xf32>
      %swap3A = arith.index_cast %mul3A_414 : i32 to index
      %swap3A_419 = tpu.vector_load %arg18[%swap3A] {strides = array<i32>} : memref<3136xf32, #tpu.memory_space<vmem>>, vector<16xf32>,
      tpu.vector_store %arg18[%swap3A], %add3A_418 {strides = array<i32>} : memref<3136xf32, #tpu.memory_space<vmem>>, vector<16xf32>,
    }
    %scan3A_199 = arith.constant 196 : i32
    %barrier3A_200 = arith.constant 0 : index
    tpu.barrier barrier_id(%barrier3A_200)
    %add3A_201 = arith.constant 8 : i32
    %add3A_202 = arith.addi %arg1, %add3A_201 : i32
    %rem3A_203 = arith.constant 16 : i32
    %rem3A_204 = arith.remsi %add3A_202, %rem3A_203 : i32
    %add3A_205 = arith.constant 16 : i32
    %add3A_206 = arith.addi %arg1, %add3A_205 : i32
    %sub3A_207 = arith.constant 8 : i32
    %sub3A_208 = arith.subi %add3A_206, %sub3A_207 : i32
    %rem3A_209 = arith.constant 16 : i32
    %rem3A_210 = arith.remsi %sub3A_208, %rem3A_209 : i32
    %mul3A_211 = arith.constant 3136 : i32
    %mul3A_212 = arith.muli %rem3A_204, %mul3A_211 : i32
    %multiple_of3A_213 = tpu.assume_multiple %mul3A_212, 8 : i32
    %mul3A_214 = arith.constant 3136 : i32
    %mul3A_215 = arith.muli %arg1, %mul3A_214 : i32
    "tpu.region"() ({
      %run_scoped3A = tpu.sem_alloc : memref<!tpu.dma_semaphore, #tpu.memory_space<semaphore_mem>>
      %dma_start3A = tpu.memref_slice %arg10[%multiple_of3A_213] : memref<50176xf32, #tpu.memory_space<vmem>> -> memref<3136xf32, #tpu.memory_space<vmem>>
      %dma_start3A_412 = tpu.memref_slice %arg16[%mul3A_215] : memref<50176xf32, #tpu.memory_space<vmem_shared>> -> memref<3136xf32, #tpu.memory_space<vmem_shared>>
      %dma_start3A_413 = tpu.memref_slice %arg16[%mul3A_215] : memref<50176xf32, #tpu.memory_space<vmem_shared>> -> memref<3136xf32, #tpu.memory_space<vmem_shared>>
      %dma_start3A_414 = tpu.memref_slice %arg10[%multiple_of3A_213] : memref<50176xf32, #tpu.memory_space<vmem>> -> memref<3136xf32, #tpu.memory_space<vmem>>
      tpu.enqueue_dma source(%dma_start3A_414 : memref<3136xf32, #tpu.memory_space<vmem>>) target(%dma_start3A_413 : memref<3136xf32, #tpu.memory_space<vmem_shared>>) target_semaphore(%run_scoped3A : memref<!tpu.dma_semaphore, #tpu.memory_space<semaphore_mem>>)
      %dma_wait3A = tpu.memref_slice %arg10[%multiple_of3A_213] : memref<50176xf32, #tpu.memory_space<vmem>> -> memref<3136xf32, #tpu.memory_space<vmem>>
      %dma_wait3A_415 = tpu.memref_slice %arg16[%mul3A_215] : memref<50176xf32, #tpu.memory_space<vmem_shared>> -> memref<3136xf32, #tpu.memory_space<vmem_shared>>
      %dma_wait3A_416 = tpu.memref_slice %arg16[%mul3A_215] : memref<50176xf32, #tpu.memory_space<vmem_shared>> -> memref<3136xf32, #tpu.memory_space<vmem_shared>>
      %dma_wait3A_417 = tpu.memref_slice %arg10[%multiple_of3A_213] : memref<50176xf32, #tpu.memory_space<vmem>> -> memref<3136xf32, #tpu.memory_space<vmem>>
      tpu.wait_dma2 semaphore(%run_scoped3A : memref<!tpu.dma_semaphore, #tpu.memory_space<semaphore_mem>>) src(%dma_wait3A_417 : memref<3136xf32, #tpu.memory_space<vmem>>) dst(%dma_wait3A_416 : memref<3136xf32, #tpu.memory_space<vmem_shared>>)
      tpu.yield
    }) : () -> ()
    %barrier3A_216 = arith.constant 0 : index
    tpu.barrier barrier_id(%barrier3A_216)
    %mul3A_217 = arith.constant 3136 : i32
    %mul3A_218 = arith.muli %rem3A_210, %mul3A_217 : i32
    %multiple_of3A_219 = tpu.assume_multiple %mul3A_218, 8 : i32
    "tpu.region"() ({
      %run_scoped3A = tpu.sem_alloc : memref<!tpu.dma_semaphore, #tpu.memory_space<semaphore_mem>>
      %dma_start3A = tpu.memref_slice %arg16[%multiple_of3A_219] : memref<50176xf32, #tpu.memory_space<vmem_shared>> -> memref<3136xf32, #tpu.memory_space<vmem_shared>>
      %dma_start3A_412 = tpu.memref_slice %arg16[%multiple_of3A_219] : memref<50176xf32, #tpu.memory_space<vmem_shared>> -> memref<3136xf32, #tpu.memory_space<vmem_shared>>
      tpu.enqueue_dma source(%dma_start3A_412 : memref<3136xf32, #tpu.memory_space<vmem_shared>>) target(%arg17 : memref<3136xf32, #tpu.memory_space<vmem>>) target_semaphore(%run_scoped3A : memref<!tpu.dma_semaphore, #tpu.memory_space<semaphore_mem>>)
      %dma_wait3A = tpu.memref_slice %arg16[%multiple_of3A_219] : memref<50176xf32, #tpu.memory_space<vmem_shared>> -> memref<3136xf32, #tpu.memory_space<vmem_shared>>
      %dma_wait3A_413 = tpu.memref_slice %arg16[%multiple_of3A_219] : memref<50176xf32, #tpu.memory_space<vmem_shared>> -> memref<3136xf32, #tpu.memory_space<vmem_shared>>
      tpu.wait_dma2 semaphore(%run_scoped3A : memref<!tpu.dma_semaphore, #tpu.memory_space<semaphore_mem>>) src(%dma_wait3A_413 : memref<3136xf32, #tpu.memory_space<vmem_shared>>) dst(%arg17 : memref<3136xf32, #tpu.memory_space<vmem>>)
      tpu.yield
    }) : () -> ()
    %scan3A_220 = arith.constant 0 : i32
    %scan3A_221 = arith.constant 0 : i32
    %scan3A_222 = arith.constant 196 : i32
    %scan3A_223 = arith.addi %scan3A_221, %scan3A_222 : i32
    %scan3A_224 = arith.constant 1 : i32
    scf.for %scan3A_412 = %scan3A_221 to %scan3A_223 step %scan3A_224  : i32 {
      %mul3A_413 = arith.constant 16 : i32
      %mul3A_414 = arith.muli %scan3A_412, %mul3A_413 : i32
      %get3A = arith.index_cast %mul3A_414 : i32 to index
      %get3A_415 = tpu.vector_load %arg18[%get3A] {strides = array<i32>} : memref<3136xf32, #tpu.memory_space<vmem>>, vector<16xf32>,
      %get3A_416 = arith.index_cast %mul3A_414 : i32 to index
      %get3A_417 = tpu.vector_load %arg17[%get3A_416] {strides = array<i32>} : memref<3136xf32, #tpu.memory_space<vmem>>, vector<16xf32>,
      %add3A_418 = arith.addf %get3A_415, %get3A_417 : vector<16xf32>
      %swap3A = arith.index_cast %mul3A_414 : i32 to index
      %swap3A_419 = tpu.vector_load %arg18[%swap3A] {strides = array<i32>} : memref<3136xf32, #tpu.memory_space<vmem>>, vector<16xf32>,
      tpu.vector_store %arg18[%swap3A], %add3A_418 {strides = array<i32>} : memref<3136xf32, #tpu.memory_space<vmem>>, vector<16xf32>,
    }
    %scan3A_225 = arith.constant 196 : i32
    %barrier3A_226 = arith.constant 0 : index
    tpu.barrier barrier_id(%barrier3A_226)
    %add3A_227 = arith.constant 9 : i32
    %add3A_228 = arith.addi %arg1, %add3A_227 : i32
    %rem3A_229 = arith.constant 16 : i32
    %rem3A_230 = arith.remsi %add3A_228, %rem3A_229 : i32
    %add3A_231 = arith.constant 16 : i32
    %add3A_232 = arith.addi %arg1, %add3A_231 : i32
    %sub3A_233 = arith.constant 9 : i32
    %sub3A_234 = arith.subi %add3A_232, %sub3A_233 : i32
    %rem3A_235 = arith.constant 16 : i32
    %rem3A_236 = arith.remsi %sub3A_234, %rem3A_235 : i32
    %mul3A_237 = arith.constant 3136 : i32
    %mul3A_238 = arith.muli %rem3A_230, %mul3A_237 : i32
    %multiple_of3A_239 = tpu.assume_multiple %mul3A_238, 8 : i32
    %mul3A_240 = arith.constant 3136 : i32
    %mul3A_241 = arith.muli %arg1, %mul3A_240 : i32
    "tpu.region"() ({
      %run_scoped3A = tpu.sem_alloc : memref<!tpu.dma_semaphore, #tpu.memory_space<semaphore_mem>>
      %dma_start3A = tpu.memref_slice %arg10[%multiple_of3A_239] : memref<50176xf32, #tpu.memory_space<vmem>> -> memref<3136xf32, #tpu.memory_space<vmem>>
      %dma_start3A_412 = tpu.memref_slice %arg16[%mul3A_241] : memref<50176xf32, #tpu.memory_space<vmem_shared>> -> memref<3136xf32, #tpu.memory_space<vmem_shared>>
      %dma_start3A_413 = tpu.memref_slice %arg16[%mul3A_241] : memref<50176xf32, #tpu.memory_space<vmem_shared>> -> memref<3136xf32, #tpu.memory_space<vmem_shared>>
      %dma_start3A_414 = tpu.memref_slice %arg10[%multiple_of3A_239] : memref<50176xf32, #tpu.memory_space<vmem>> -> memref<3136xf32, #tpu.memory_space<vmem>>
      tpu.enqueue_dma source(%dma_start3A_414 : memref<3136xf32, #tpu.memory_space<vmem>>) target(%dma_start3A_413 : memref<3136xf32, #tpu.memory_space<vmem_shared>>) target_semaphore(%run_scoped3A : memref<!tpu.dma_semaphore, #tpu.memory_space<semaphore_mem>>)
      %dma_wait3A = tpu.memref_slice %arg10[%multiple_of3A_239] : memref<50176xf32, #tpu.memory_space<vmem>> -> memref<3136xf32, #tpu.memory_space<vmem>>
      %dma_wait3A_415 = tpu.memref_slice %arg16[%mul3A_241] : memref<50176xf32, #tpu.memory_space<vmem_shared>> -> memref<3136xf32, #tpu.memory_space<vmem_shared>>
      %dma_wait3A_416 = tpu.memref_slice %arg16[%mul3A_241] : memref<50176xf32, #tpu.memory_space<vmem_shared>> -> memref<3136xf32, #tpu.memory_space<vmem_shared>>
      %dma_wait3A_417 = tpu.memref_slice %arg10[%multiple_of3A_239] : memref<50176xf32, #tpu.memory_space<vmem>> -> memref<3136xf32, #tpu.memory_space<vmem>>
      tpu.wait_dma2 semaphore(%run_scoped3A : memref<!tpu.dma_semaphore, #tpu.memory_space<semaphore_mem>>) src(%dma_wait3A_417 : memref<3136xf32, #tpu.memory_space<vmem>>) dst(%dma_wait3A_416 : memref<3136xf32, #tpu.memory_space<vmem_shared>>)
      tpu.yield
    }) : () -> ()
    %barrier3A_242 = arith.constant 0 : index
    tpu.barrier barrier_id(%barrier3A_242)
    %mul3A_243 = arith.constant 3136 : i32
    %mul3A_244 = arith.muli %rem3A_236, %mul3A_243 : i32
    %multiple_of3A_245 = tpu.assume_multiple %mul3A_244, 8 : i32
    "tpu.region"() ({
      %run_scoped3A = tpu.sem_alloc : memref<!tpu.dma_semaphore, #tpu.memory_space<semaphore_mem>>
      %dma_start3A = tpu.memref_slice %arg16[%multiple_of3A_245] : memref<50176xf32, #tpu.memory_space<vmem_shared>> -> memref<3136xf32, #tpu.memory_space<vmem_shared>>
      %dma_start3A_412 = tpu.memref_slice %arg16[%multiple_of3A_245] : memref<50176xf32, #tpu.memory_space<vmem_shared>> -> memref<3136xf32, #tpu.memory_space<vmem_shared>>
      tpu.enqueue_dma source(%dma_start3A_412 : memref<3136xf32, #tpu.memory_space<vmem_shared>>) target(%arg17 : memref<3136xf32, #tpu.memory_space<vmem>>) target_semaphore(%run_scoped3A : memref<!tpu.dma_semaphore, #tpu.memory_space<semaphore_mem>>)
      %dma_wait3A = tpu.memref_slice %arg16[%multiple_of3A_245] : memref<50176xf32, #tpu.memory_space<vmem_shared>> -> memref<3136xf32, #tpu.memory_space<vmem_shared>>
      %dma_wait3A_413 = tpu.memref_slice %arg16[%multiple_of3A_245] : memref<50176xf32, #tpu.memory_space<vmem_shared>> -> memref<3136xf32, #tpu.memory_space<vmem_shared>>
      tpu.wait_dma2 semaphore(%run_scoped3A : memref<!tpu.dma_semaphore, #tpu.memory_space<semaphore_mem>>) src(%dma_wait3A_413 : memref<3136xf32, #tpu.memory_space<vmem_shared>>) dst(%arg17 : memref<3136xf32, #tpu.memory_space<vmem>>)
      tpu.yield
    }) : () -> ()
    %scan3A_246 = arith.constant 0 : i32
    %scan3A_247 = arith.constant 0 : i32
    %scan3A_248 = arith.constant 196 : i32
    %scan3A_249 = arith.addi %scan3A_247, %scan3A_248 : i32
    %scan3A_250 = arith.constant 1 : i32
    scf.for %scan3A_412 = %scan3A_247 to %scan3A_249 step %scan3A_250  : i32 {
      %mul3A_413 = arith.constant 16 : i32
      %mul3A_414 = arith.muli %scan3A_412, %mul3A_413 : i32
      %get3A = arith.index_cast %mul3A_414 : i32 to index
      %get3A_415 = tpu.vector_load %arg18[%get3A] {strides = array<i32>} : memref<3136xf32, #tpu.memory_space<vmem>>, vector<16xf32>,
      %get3A_416 = arith.index_cast %mul3A_414 : i32 to index
      %get3A_417 = tpu.vector_load %arg17[%get3A_416] {strides = array<i32>} : memref<3136xf32, #tpu.memory_space<vmem>>, vector<16xf32>,
      %add3A_418 = arith.addf %get3A_415, %get3A_417 : vector<16xf32>
      %swap3A = arith.index_cast %mul3A_414 : i32 to index
      %swap3A_419 = tpu.vector_load %arg18[%swap3A] {strides = array<i32>} : memref<3136xf32, #tpu.memory_space<vmem>>, vector<16xf32>,
      tpu.vector_store %arg18[%swap3A], %add3A_418 {strides = array<i32>} : memref<3136xf32, #tpu.memory_space<vmem>>, vector<16xf32>,
    }
    %scan3A_251 = arith.constant 196 : i32
    %barrier3A_252 = arith.constant 0 : index
    tpu.barrier barrier_id(%barrier3A_252)
    %add3A_253 = arith.constant 10 : i32
    %add3A_254 = arith.addi %arg1, %add3A_253 : i32
    %rem3A_255 = arith.constant 16 : i32
    %rem3A_256 = arith.remsi %add3A_254, %rem3A_255 : i32
    %add3A_257 = arith.constant 16 : i32
    %add3A_258 = arith.addi %arg1, %add3A_257 : i32
    %sub3A_259 = arith.constant 10 : i32
    %sub3A_260 = arith.subi %add3A_258, %sub3A_259 : i32
    %rem3A_261 = arith.constant 16 : i32
    %rem3A_262 = arith.remsi %sub3A_260, %rem3A_261 : i32
    %mul3A_263 = arith.constant 3136 : i32
    %mul3A_264 = arith.muli %rem3A_256, %mul3A_263 : i32
    %multiple_of3A_265 = tpu.assume_multiple %mul3A_264, 8 : i32
    %mul3A_266 = arith.constant 3136 : i32
    %mul3A_267 = arith.muli %arg1, %mul3A_266 : i32
    "tpu.region"() ({
      %run_scoped3A = tpu.sem_alloc : memref<!tpu.dma_semaphore, #tpu.memory_space<semaphore_mem>>
      %dma_start3A = tpu.memref_slice %arg10[%multiple_of3A_265] : memref<50176xf32, #tpu.memory_space<vmem>> -> memref<3136xf32, #tpu.memory_space<vmem>>
      %dma_start3A_412 = tpu.memref_slice %arg16[%mul3A_267] : memref<50176xf32, #tpu.memory_space<vmem_shared>> -> memref<3136xf32, #tpu.memory_space<vmem_shared>>
      %dma_start3A_413 = tpu.memref_slice %arg16[%mul3A_267] : memref<50176xf32, #tpu.memory_space<vmem_shared>> -> memref<3136xf32, #tpu.memory_space<vmem_shared>>
      %dma_start3A_414 = tpu.memref_slice %arg10[%multiple_of3A_265] : memref<50176xf32, #tpu.memory_space<vmem>> -> memref<3136xf32, #tpu.memory_space<vmem>>
      tpu.enqueue_dma source(%dma_start3A_414 : memref<3136xf32, #tpu.memory_space<vmem>>) target(%dma_start3A_413 : memref<3136xf32, #tpu.memory_space<vmem_shared>>) target_semaphore(%run_scoped3A : memref<!tpu.dma_semaphore, #tpu.memory_space<semaphore_mem>>)
      %dma_wait3A = tpu.memref_slice %arg10[%multiple_of3A_265] : memref<50176xf32, #tpu.memory_space<vmem>> -> memref<3136xf32, #tpu.memory_space<vmem>>
      %dma_wait3A_415 = tpu.memref_slice %arg16[%mul3A_267] : memref<50176xf32, #tpu.memory_space<vmem_shared>> -> memref<3136xf32, #tpu.memory_space<vmem_shared>>
      %dma_wait3A_416 = tpu.memref_slice %arg16[%mul3A_267] : memref<50176xf32, #tpu.memory_space<vmem_shared>> -> memref<3136xf32, #tpu.memory_space<vmem_shared>>
      %dma_wait3A_417 = tpu.memref_slice %arg10[%multiple_of3A_265] : memref<50176xf32, #tpu.memory_space<vmem>> -> memref<3136xf32, #tpu.memory_space<vmem>>
      tpu.wait_dma2 semaphore(%run_scoped3A : memref<!tpu.dma_semaphore, #tpu.memory_space<semaphore_mem>>) src(%dma_wait3A_417 : memref<3136xf32, #tpu.memory_space<vmem>>) dst(%dma_wait3A_416 : memref<3136xf32, #tpu.memory_space<vmem_shared>>)
      tpu.yield
    }) : () -> ()
    %barrier3A_268 = arith.constant 0 : index
    tpu.barrier barrier_id(%barrier3A_268)
    %mul3A_269 = arith.constant 3136 : i32
    %mul3A_270 = arith.muli %rem3A_262, %mul3A_269 : i32
    %multiple_of3A_271 = tpu.assume_multiple %mul3A_270, 8 : i32
    "tpu.region"() ({
      %run_scoped3A = tpu.sem_alloc : memref<!tpu.dma_semaphore, #tpu.memory_space<semaphore_mem>>
      %dma_start3A = tpu.memref_slice %arg16[%multiple_of3A_271] : memref<50176xf32, #tpu.memory_space<vmem_shared>> -> memref<3136xf32, #tpu.memory_space<vmem_shared>>
      %dma_start3A_412 = tpu.memref_slice %arg16[%multiple_of3A_271] : memref<50176xf32, #tpu.memory_space<vmem_shared>> -> memref<3136xf32, #tpu.memory_space<vmem_shared>>
      tpu.enqueue_dma source(%dma_start3A_412 : memref<3136xf32, #tpu.memory_space<vmem_shared>>) target(%arg17 : memref<3136xf32, #tpu.memory_space<vmem>>) target_semaphore(%run_scoped3A : memref<!tpu.dma_semaphore, #tpu.memory_space<semaphore_mem>>)
      %dma_wait3A = tpu.memref_slice %arg16[%multiple_of3A_271] : memref<50176xf32, #tpu.memory_space<vmem_shared>> -> memref<3136xf32, #tpu.memory_space<vmem_shared>>
      %dma_wait3A_413 = tpu.memref_slice %arg16[%multiple_of3A_271] : memref<50176xf32, #tpu.memory_space<vmem_shared>> -> memref<3136xf32, #tpu.memory_space<vmem_shared>>
      tpu.wait_dma2 semaphore(%run_scoped3A : memref<!tpu.dma_semaphore, #tpu.memory_space<semaphore_mem>>) src(%dma_wait3A_413 : memref<3136xf32, #tpu.memory_space<vmem_shared>>) dst(%arg17 : memref<3136xf32, #tpu.memory_space<vmem>>)
      tpu.yield
    }) : () -> ()
    %scan3A_272 = arith.constant 0 : i32
    %scan3A_273 = arith.constant 0 : i32
    %scan3A_274 = arith.constant 196 : i32
    %scan3A_275 = arith.addi %scan3A_273, %scan3A_274 : i32
    %scan3A_276 = arith.constant 1 : i32
    scf.for %scan3A_412 = %scan3A_273 to %scan3A_275 step %scan3A_276  : i32 {
      %mul3A_413 = arith.constant 16 : i32
      %mul3A_414 = arith.muli %scan3A_412, %mul3A_413 : i32
      %get3A = arith.index_cast %mul3A_414 : i32 to index
      %get3A_415 = tpu.vector_load %arg18[%get3A] {strides = array<i32>} : memref<3136xf32, #tpu.memory_space<vmem>>, vector<16xf32>,
      %get3A_416 = arith.index_cast %mul3A_414 : i32 to index
      %get3A_417 = tpu.vector_load %arg17[%get3A_416] {strides = array<i32>} : memref<3136xf32, #tpu.memory_space<vmem>>, vector<16xf32>,
      %add3A_418 = arith.addf %get3A_415, %get3A_417 : vector<16xf32>
      %swap3A = arith.index_cast %mul3A_414 : i32 to index
      %swap3A_419 = tpu.vector_load %arg18[%swap3A] {strides = array<i32>} : memref<3136xf32, #tpu.memory_space<vmem>>, vector<16xf32>,
      tpu.vector_store %arg18[%swap3A], %add3A_418 {strides = array<i32>} : memref<3136xf32, #tpu.memory_space<vmem>>, vector<16xf32>,
    }
    %scan3A_277 = arith.constant 196 : i32
    %barrier3A_278 = arith.constant 0 : index
    tpu.barrier barrier_id(%barrier3A_278)
    %add3A_279 = arith.constant 11 : i32
    %add3A_280 = arith.addi %arg1, %add3A_279 : i32
    %rem3A_281 = arith.constant 16 : i32
    %rem3A_282 = arith.remsi %add3A_280, %rem3A_281 : i32
    %add3A_283 = arith.constant 16 : i32
    %add3A_284 = arith.addi %arg1, %add3A_283 : i32
    %sub3A_285 = arith.constant 11 : i32
    %sub3A_286 = arith.subi %add3A_284, %sub3A_285 : i32
    %rem3A_287 = arith.constant 16 : i32
    %rem3A_288 = arith.remsi %sub3A_286, %rem3A_287 : i32
    %mul3A_289 = arith.constant 3136 : i32
    %mul3A_290 = arith.muli %rem3A_282, %mul3A_289 : i32
    %multiple_of3A_291 = tpu.assume_multiple %mul3A_290, 8 : i32
    %mul3A_292 = arith.constant 3136 : i32
    %mul3A_293 = arith.muli %arg1, %mul3A_292 : i32
    "tpu.region"() ({
      %run_scoped3A = tpu.sem_alloc : memref<!tpu.dma_semaphore, #tpu.memory_space<semaphore_mem>>
      %dma_start3A = tpu.memref_slice %arg10[%multiple_of3A_291] : memref<50176xf32, #tpu.memory_space<vmem>> -> memref<3136xf32, #tpu.memory_space<vmem>>
      %dma_start3A_412 = tpu.memref_slice %arg16[%mul3A_293] : memref<50176xf32, #tpu.memory_space<vmem_shared>> -> memref<3136xf32, #tpu.memory_space<vmem_shared>>
      %dma_start3A_413 = tpu.memref_slice %arg16[%mul3A_293] : memref<50176xf32, #tpu.memory_space<vmem_shared>> -> memref<3136xf32, #tpu.memory_space<vmem_shared>>
      %dma_start3A_414 = tpu.memref_slice %arg10[%multiple_of3A_291] : memref<50176xf32, #tpu.memory_space<vmem>> -> memref<3136xf32, #tpu.memory_space<vmem>>
      tpu.enqueue_dma source(%dma_start3A_414 : memref<3136xf32, #tpu.memory_space<vmem>>) target(%dma_start3A_413 : memref<3136xf32, #tpu.memory_space<vmem_shared>>) target_semaphore(%run_scoped3A : memref<!tpu.dma_semaphore, #tpu.memory_space<semaphore_mem>>)
      %dma_wait3A = tpu.memref_slice %arg10[%multiple_of3A_291] : memref<50176xf32, #tpu.memory_space<vmem>> -> memref<3136xf32, #tpu.memory_space<vmem>>
      %dma_wait3A_415 = tpu.memref_slice %arg16[%mul3A_293] : memref<50176xf32, #tpu.memory_space<vmem_shared>> -> memref<3136xf32, #tpu.memory_space<vmem_shared>>
      %dma_wait3A_416 = tpu.memref_slice %arg16[%mul3A_293] : memref<50176xf32, #tpu.memory_space<vmem_shared>> -> memref<3136xf32, #tpu.memory_space<vmem_shared>>
      %dma_wait3A_417 = tpu.memref_slice %arg10[%multiple_of3A_291] : memref<50176xf32, #tpu.memory_space<vmem>> -> memref<3136xf32, #tpu.memory_space<vmem>>
      tpu.wait_dma2 semaphore(%run_scoped3A : memref<!tpu.dma_semaphore, #tpu.memory_space<semaphore_mem>>) src(%dma_wait3A_417 : memref<3136xf32, #tpu.memory_space<vmem>>) dst(%dma_wait3A_416 : memref<3136xf32, #tpu.memory_space<vmem_shared>>)
      tpu.yield
    }) : () -> ()
    %barrier3A_294 = arith.constant 0 : index
    tpu.barrier barrier_id(%barrier3A_294)
    %mul3A_295 = arith.constant 3136 : i32
    %mul3A_296 = arith.muli %rem3A_288, %mul3A_295 : i32
    %multiple_of3A_297 = tpu.assume_multiple %mul3A_296, 8 : i32
    "tpu.region"() ({
      %run_scoped3A = tpu.sem_alloc : memref<!tpu.dma_semaphore, #tpu.memory_space<semaphore_mem>>
      %dma_start3A = tpu.memref_slice %arg16[%multiple_of3A_297] : memref<50176xf32, #tpu.memory_space<vmem_shared>> -> memref<3136xf32, #tpu.memory_space<vmem_shared>>
      %dma_start3A_412 = tpu.memref_slice %arg16[%multiple_of3A_297] : memref<50176xf32, #tpu.memory_space<vmem_shared>> -> memref<3136xf32, #tpu.memory_space<vmem_shared>>
      tpu.enqueue_dma source(%dma_start3A_412 : memref<3136xf32, #tpu.memory_space<vmem_shared>>) target(%arg17 : memref<3136xf32, #tpu.memory_space<vmem>>) target_semaphore(%run_scoped3A : memref<!tpu.dma_semaphore, #tpu.memory_space<semaphore_mem>>)
      %dma_wait3A = tpu.memref_slice %arg16[%multiple_of3A_297] : memref<50176xf32, #tpu.memory_space<vmem_shared>> -> memref<3136xf32, #tpu.memory_space<vmem_shared>>
      %dma_wait3A_413 = tpu.memref_slice %arg16[%multiple_of3A_297] : memref<50176xf32, #tpu.memory_space<vmem_shared>> -> memref<3136xf32, #tpu.memory_space<vmem_shared>>
      tpu.wait_dma2 semaphore(%run_scoped3A : memref<!tpu.dma_semaphore, #tpu.memory_space<semaphore_mem>>) src(%dma_wait3A_413 : memref<3136xf32, #tpu.memory_space<vmem_shared>>) dst(%arg17 : memref<3136xf32, #tpu.memory_space<vmem>>)
      tpu.yield
    }) : () -> ()
    %scan3A_298 = arith.constant 0 : i32
    %scan3A_299 = arith.constant 0 : i32
    %scan3A_300 = arith.constant 196 : i32
    %scan3A_301 = arith.addi %scan3A_299, %scan3A_300 : i32
    %scan3A_302 = arith.constant 1 : i32
    scf.for %scan3A_412 = %scan3A_299 to %scan3A_301 step %scan3A_302  : i32 {
      %mul3A_413 = arith.constant 16 : i32
      %mul3A_414 = arith.muli %scan3A_412, %mul3A_413 : i32
      %get3A = arith.index_cast %mul3A_414 : i32 to index
      %get3A_415 = tpu.vector_load %arg18[%get3A] {strides = array<i32>} : memref<3136xf32, #tpu.memory_space<vmem>>, vector<16xf32>,
      %get3A_416 = arith.index_cast %mul3A_414 : i32 to index
      %get3A_417 = tpu.vector_load %arg17[%get3A_416] {strides = array<i32>} : memref<3136xf32, #tpu.memory_space<vmem>>, vector<16xf32>,
      %add3A_418 = arith.addf %get3A_415, %get3A_417 : vector<16xf32>
      %swap3A = arith.index_cast %mul3A_414 : i32 to index
      %swap3A_419 = tpu.vector_load %arg18[%swap3A] {strides = array<i32>} : memref<3136xf32, #tpu.memory_space<vmem>>, vector<16xf32>,
      tpu.vector_store %arg18[%swap3A], %add3A_418 {strides = array<i32>} : memref<3136xf32, #tpu.memory_space<vmem>>, vector<16xf32>,
    }
    %scan3A_303 = arith.constant 196 : i32
    %barrier3A_304 = arith.constant 0 : index
    tpu.barrier barrier_id(%barrier3A_304)
    %add3A_305 = arith.constant 12 : i32
    %add3A_306 = arith.addi %arg1, %add3A_305 : i32
    %rem3A_307 = arith.constant 16 : i32
    %rem3A_308 = arith.remsi %add3A_306, %rem3A_307 : i32
    %add3A_309 = arith.constant 16 : i32
    %add3A_310 = arith.addi %arg1, %add3A_309 : i32
    %sub3A_311 = arith.constant 12 : i32
    %sub3A_312 = arith.subi %add3A_310, %sub3A_311 : i32
    %rem3A_313 = arith.constant 16 : i32
    %rem3A_314 = arith.remsi %sub3A_312, %rem3A_313 : i32
    %mul3A_315 = arith.constant 3136 : i32
    %mul3A_316 = arith.muli %rem3A_308, %mul3A_315 : i32
    %multiple_of3A_317 = tpu.assume_multiple %mul3A_316, 8 : i32
    %mul3A_318 = arith.constant 3136 : i32
    %mul3A_319 = arith.muli %arg1, %mul3A_318 : i32
    "tpu.region"() ({
      %run_scoped3A = tpu.sem_alloc : memref<!tpu.dma_semaphore, #tpu.memory_space<semaphore_mem>>
      %dma_start3A = tpu.memref_slice %arg10[%multiple_of3A_317] : memref<50176xf32, #tpu.memory_space<vmem>> -> memref<3136xf32, #tpu.memory_space<vmem>>
      %dma_start3A_412 = tpu.memref_slice %arg16[%mul3A_319] : memref<50176xf32, #tpu.memory_space<vmem_shared>> -> memref<3136xf32, #tpu.memory_space<vmem_shared>>
      %dma_start3A_413 = tpu.memref_slice %arg16[%mul3A_319] : memref<50176xf32, #tpu.memory_space<vmem_shared>> -> memref<3136xf32, #tpu.memory_space<vmem_shared>>
      %dma_start3A_414 = tpu.memref_slice %arg10[%multiple_of3A_317] : memref<50176xf32, #tpu.memory_space<vmem>> -> memref<3136xf32, #tpu.memory_space<vmem>>
      tpu.enqueue_dma source(%dma_start3A_414 : memref<3136xf32, #tpu.memory_space<vmem>>) target(%dma_start3A_413 : memref<3136xf32, #tpu.memory_space<vmem_shared>>) target_semaphore(%run_scoped3A : memref<!tpu.dma_semaphore, #tpu.memory_space<semaphore_mem>>)
      %dma_wait3A = tpu.memref_slice %arg10[%multiple_of3A_317] : memref<50176xf32, #tpu.memory_space<vmem>> -> memref<3136xf32, #tpu.memory_space<vmem>>
      %dma_wait3A_415 = tpu.memref_slice %arg16[%mul3A_319] : memref<50176xf32, #tpu.memory_space<vmem_shared>> -> memref<3136xf32, #tpu.memory_space<vmem_shared>>
      %dma_wait3A_416 = tpu.memref_slice %arg16[%mul3A_319] : memref<50176xf32, #tpu.memory_space<vmem_shared>> -> memref<3136xf32, #tpu.memory_space<vmem_shared>>
      %dma_wait3A_417 = tpu.memref_slice %arg10[%multiple_of3A_317] : memref<50176xf32, #tpu.memory_space<vmem>> -> memref<3136xf32, #tpu.memory_space<vmem>>
      tpu.wait_dma2 semaphore(%run_scoped3A : memref<!tpu.dma_semaphore, #tpu.memory_space<semaphore_mem>>) src(%dma_wait3A_417 : memref<3136xf32, #tpu.memory_space<vmem>>) dst(%dma_wait3A_416 : memref<3136xf32, #tpu.memory_space<vmem_shared>>)
      tpu.yield
    }) : () -> ()
    %barrier3A_320 = arith.constant 0 : index
    tpu.barrier barrier_id(%barrier3A_320)
    %mul3A_321 = arith.constant 3136 : i32
    %mul3A_322 = arith.muli %rem3A_314, %mul3A_321 : i32
    %multiple_of3A_323 = tpu.assume_multiple %mul3A_322, 8 : i32
    "tpu.region"() ({
      %run_scoped3A = tpu.sem_alloc : memref<!tpu.dma_semaphore, #tpu.memory_space<semaphore_mem>>
      %dma_start3A = tpu.memref_slice %arg16[%multiple_of3A_323] : memref<50176xf32, #tpu.memory_space<vmem_shared>> -> memref<3136xf32, #tpu.memory_space<vmem_shared>>
      %dma_start3A_412 = tpu.memref_slice %arg16[%multiple_of3A_323] : memref<50176xf32, #tpu.memory_space<vmem_shared>> -> memref<3136xf32, #tpu.memory_space<vmem_shared>>
      tpu.enqueue_dma source(%dma_start3A_412 : memref<3136xf32, #tpu.memory_space<vmem_shared>>) target(%arg17 : memref<3136xf32, #tpu.memory_space<vmem>>) target_semaphore(%run_scoped3A : memref<!tpu.dma_semaphore, #tpu.memory_space<semaphore_mem>>)
      %dma_wait3A = tpu.memref_slice %arg16[%multiple_of3A_323] : memref<50176xf32, #tpu.memory_space<vmem_shared>> -> memref<3136xf32, #tpu.memory_space<vmem_shared>>
      %dma_wait3A_413 = tpu.memref_slice %arg16[%multiple_of3A_323] : memref<50176xf32, #tpu.memory_space<vmem_shared>> -> memref<3136xf32, #tpu.memory_space<vmem_shared>>
      tpu.wait_dma2 semaphore(%run_scoped3A : memref<!tpu.dma_semaphore, #tpu.memory_space<semaphore_mem>>) src(%dma_wait3A_413 : memref<3136xf32, #tpu.memory_space<vmem_shared>>) dst(%arg17 : memref<3136xf32, #tpu.memory_space<vmem>>)
      tpu.yield
    }) : () -> ()
    %scan3A_324 = arith.constant 0 : i32
    %scan3A_325 = arith.constant 0 : i32
    %scan3A_326 = arith.constant 196 : i32
    %scan3A_327 = arith.addi %scan3A_325, %scan3A_326 : i32
    %scan3A_328 = arith.constant 1 : i32
    scf.for %scan3A_412 = %scan3A_325 to %scan3A_327 step %scan3A_328  : i32 {
      %mul3A_413 = arith.constant 16 : i32
      %mul3A_414 = arith.muli %scan3A_412, %mul3A_413 : i32
      %get3A = arith.index_cast %mul3A_414 : i32 to index
      %get3A_415 = tpu.vector_load %arg18[%get3A] {strides = array<i32>} : memref<3136xf32, #tpu.memory_space<vmem>>, vector<16xf32>,
      %get3A_416 = arith.index_cast %mul3A_414 : i32 to index
      %get3A_417 = tpu.vector_load %arg17[%get3A_416] {strides = array<i32>} : memref<3136xf32, #tpu.memory_space<vmem>>, vector<16xf32>,
      %add3A_418 = arith.addf %get3A_415, %get3A_417 : vector<16xf32>
      %swap3A = arith.index_cast %mul3A_414 : i32 to index
      %swap3A_419 = tpu.vector_load %arg18[%swap3A] {strides = array<i32>} : memref<3136xf32, #tpu.memory_space<vmem>>, vector<16xf32>,
      tpu.vector_store %arg18[%swap3A], %add3A_418 {strides = array<i32>} : memref<3136xf32, #tpu.memory_space<vmem>>, vector<16xf32>,
    }
    %scan3A_329 = arith.constant 196 : i32
    %barrier3A_330 = arith.constant 0 : index
    tpu.barrier barrier_id(%barrier3A_330)
    %add3A_331 = arith.constant 13 : i32
    %add3A_332 = arith.addi %arg1, %add3A_331 : i32
    %rem3A_333 = arith.constant 16 : i32
    %rem3A_334 = arith.remsi %add3A_332, %rem3A_333 : i32
    %add3A_335 = arith.constant 16 : i32
    %add3A_336 = arith.addi %arg1, %add3A_335 : i32
    %sub3A_337 = arith.constant 13 : i32
    %sub3A_338 = arith.subi %add3A_336, %sub3A_337 : i32
    %rem3A_339 = arith.constant 16 : i32
    %rem3A_340 = arith.remsi %sub3A_338, %rem3A_339 : i32
    %mul3A_341 = arith.constant 3136 : i32
    %mul3A_342 = arith.muli %rem3A_334, %mul3A_341 : i32
    %multiple_of3A_343 = tpu.assume_multiple %mul3A_342, 8 : i32
    %mul3A_344 = arith.constant 3136 : i32
    %mul3A_345 = arith.muli %arg1, %mul3A_344 : i32
    "tpu.region"() ({
      %run_scoped3A = tpu.sem_alloc : memref<!tpu.dma_semaphore, #tpu.memory_space<semaphore_mem>>
      %dma_start3A = tpu.memref_slice %arg10[%multiple_of3A_343] : memref<50176xf32, #tpu.memory_space<vmem>> -> memref<3136xf32, #tpu.memory_space<vmem>>
      %dma_start3A_412 = tpu.memref_slice %arg16[%mul3A_345] : memref<50176xf32, #tpu.memory_space<vmem_shared>> -> memref<3136xf32, #tpu.memory_space<vmem_shared>>
      %dma_start3A_413 = tpu.memref_slice %arg16[%mul3A_345] : memref<50176xf32, #tpu.memory_space<vmem_shared>> -> memref<3136xf32, #tpu.memory_space<vmem_shared>>
      %dma_start3A_414 = tpu.memref_slice %arg10[%multiple_of3A_343] : memref<50176xf32, #tpu.memory_space<vmem>> -> memref<3136xf32, #tpu.memory_space<vmem>>
      tpu.enqueue_dma source(%dma_start3A_414 : memref<3136xf32, #tpu.memory_space<vmem>>) target(%dma_start3A_413 : memref<3136xf32, #tpu.memory_space<vmem_shared>>) target_semaphore(%run_scoped3A : memref<!tpu.dma_semaphore, #tpu.memory_space<semaphore_mem>>)
      %dma_wait3A = tpu.memref_slice %arg10[%multiple_of3A_343] : memref<50176xf32, #tpu.memory_space<vmem>> -> memref<3136xf32, #tpu.memory_space<vmem>>
      %dma_wait3A_415 = tpu.memref_slice %arg16[%mul3A_345] : memref<50176xf32, #tpu.memory_space<vmem_shared>> -> memref<3136xf32, #tpu.memory_space<vmem_shared>>
      %dma_wait3A_416 = tpu.memref_slice %arg16[%mul3A_345] : memref<50176xf32, #tpu.memory_space<vmem_shared>> -> memref<3136xf32, #tpu.memory_space<vmem_shared>>
      %dma_wait3A_417 = tpu.memref_slice %arg10[%multiple_of3A_343] : memref<50176xf32, #tpu.memory_space<vmem>> -> memref<3136xf32, #tpu.memory_space<vmem>>
      tpu.wait_dma2 semaphore(%run_scoped3A : memref<!tpu.dma_semaphore, #tpu.memory_space<semaphore_mem>>) src(%dma_wait3A_417 : memref<3136xf32, #tpu.memory_space<vmem>>) dst(%dma_wait3A_416 : memref<3136xf32, #tpu.memory_space<vmem_shared>>)
      tpu.yield
    }) : () -> ()
    %barrier3A_346 = arith.constant 0 : index
    tpu.barrier barrier_id(%barrier3A_346)
    %mul3A_347 = arith.constant 3136 : i32
    %mul3A_348 = arith.muli %rem3A_340, %mul3A_347 : i32
    %multiple_of3A_349 = tpu.assume_multiple %mul3A_348, 8 : i32
    "tpu.region"() ({
      %run_scoped3A = tpu.sem_alloc : memref<!tpu.dma_semaphore, #tpu.memory_space<semaphore_mem>>
      %dma_start3A = tpu.memref_slice %arg16[%multiple_of3A_349] : memref<50176xf32, #tpu.memory_space<vmem_shared>> -> memref<3136xf32, #tpu.memory_space<vmem_shared>>
      %dma_start3A_412 = tpu.memref_slice %arg16[%multiple_of3A_349] : memref<50176xf32, #tpu.memory_space<vmem_shared>> -> memref<3136xf32, #tpu.memory_space<vmem_shared>>
      tpu.enqueue_dma source(%dma_start3A_412 : memref<3136xf32, #tpu.memory_space<vmem_shared>>) target(%arg17 : memref<3136xf32, #tpu.memory_space<vmem>>) target_semaphore(%run_scoped3A : memref<!tpu.dma_semaphore, #tpu.memory_space<semaphore_mem>>)
      %dma_wait3A = tpu.memref_slice %arg16[%multiple_of3A_349] : memref<50176xf32, #tpu.memory_space<vmem_shared>> -> memref<3136xf32, #tpu.memory_space<vmem_shared>>
      %dma_wait3A_413 = tpu.memref_slice %arg16[%multiple_of3A_349] : memref<50176xf32, #tpu.memory_space<vmem_shared>> -> memref<3136xf32, #tpu.memory_space<vmem_shared>>
      tpu.wait_dma2 semaphore(%run_scoped3A : memref<!tpu.dma_semaphore, #tpu.memory_space<semaphore_mem>>) src(%dma_wait3A_413 : memref<3136xf32, #tpu.memory_space<vmem_shared>>) dst(%arg17 : memref<3136xf32, #tpu.memory_space<vmem>>)
      tpu.yield
    }) : () -> ()
    %scan3A_350 = arith.constant 0 : i32
    %scan3A_351 = arith.constant 0 : i32
    %scan3A_352 = arith.constant 196 : i32
    %scan3A_353 = arith.addi %scan3A_351, %scan3A_352 : i32
    %scan3A_354 = arith.constant 1 : i32
    scf.for %scan3A_412 = %scan3A_351 to %scan3A_353 step %scan3A_354  : i32 {
      %mul3A_413 = arith.constant 16 : i32
      %mul3A_414 = arith.muli %scan3A_412, %mul3A_413 : i32
      %get3A = arith.index_cast %mul3A_414 : i32 to index
      %get3A_415 = tpu.vector_load %arg18[%get3A] {strides = array<i32>} : memref<3136xf32, #tpu.memory_space<vmem>>, vector<16xf32>,
      %get3A_416 = arith.index_cast %mul3A_414 : i32 to index
      %get3A_417 = tpu.vector_load %arg17[%get3A_416] {strides = array<i32>} : memref<3136xf32, #tpu.memory_space<vmem>>, vector<16xf32>,
      %add3A_418 = arith.addf %get3A_415, %get3A_417 : vector<16xf32>
      %swap3A = arith.index_cast %mul3A_414 : i32 to index
      %swap3A_419 = tpu.vector_load %arg18[%swap3A] {strides = array<i32>} : memref<3136xf32, #tpu.memory_space<vmem>>, vector<16xf32>,
      tpu.vector_store %arg18[%swap3A], %add3A_418 {strides = array<i32>} : memref<3136xf32, #tpu.memory_space<vmem>>, vector<16xf32>,
    }
    %scan3A_355 = arith.constant 196 : i32
    %barrier3A_356 = arith.constant 0 : index
    tpu.barrier barrier_id(%barrier3A_356)
    %add3A_357 = arith.constant 14 : i32
    %add3A_358 = arith.addi %arg1, %add3A_357 : i32
    %rem3A_359 = arith.constant 16 : i32
    %rem3A_360 = arith.remsi %add3A_358, %rem3A_359 : i32
    %add3A_361 = arith.constant 16 : i32
    %add3A_362 = arith.addi %arg1, %add3A_361 : i32
    %sub3A_363 = arith.constant 14 : i32
    %sub3A_364 = arith.subi %add3A_362, %sub3A_363 : i32
    %rem3A_365 = arith.constant 16 : i32
    %rem3A_366 = arith.remsi %sub3A_364, %rem3A_365 : i32
    %mul3A_367 = arith.constant 3136 : i32
    %mul3A_368 = arith.muli %rem3A_360, %mul3A_367 : i32
    %multiple_of3A_369 = tpu.assume_multiple %mul3A_368, 8 : i32
    %mul3A_370 = arith.constant 3136 : i32
    %mul3A_371 = arith.muli %arg1, %mul3A_370 : i32
    "tpu.region"() ({
      %run_scoped3A = tpu.sem_alloc : memref<!tpu.dma_semaphore, #tpu.memory_space<semaphore_mem>>
      %dma_start3A = tpu.memref_slice %arg10[%multiple_of3A_369] : memref<50176xf32, #tpu.memory_space<vmem>> -> memref<3136xf32, #tpu.memory_space<vmem>>
      %dma_start3A_412 = tpu.memref_slice %arg16[%mul3A_371] : memref<50176xf32, #tpu.memory_space<vmem_shared>> -> memref<3136xf32, #tpu.memory_space<vmem_shared>>
      %dma_start3A_413 = tpu.memref_slice %arg16[%mul3A_371] : memref<50176xf32, #tpu.memory_space<vmem_shared>> -> memref<3136xf32, #tpu.memory_space<vmem_shared>>
      %dma_start3A_414 = tpu.memref_slice %arg10[%multiple_of3A_369] : memref<50176xf32, #tpu.memory_space<vmem>> -> memref<3136xf32, #tpu.memory_space<vmem>>
      tpu.enqueue_dma source(%dma_start3A_414 : memref<3136xf32, #tpu.memory_space<vmem>>) target(%dma_start3A_413 : memref<3136xf32, #tpu.memory_space<vmem_shared>>) target_semaphore(%run_scoped3A : memref<!tpu.dma_semaphore, #tpu.memory_space<semaphore_mem>>)
      %dma_wait3A = tpu.memref_slice %arg10[%multiple_of3A_369] : memref<50176xf32, #tpu.memory_space<vmem>> -> memref<3136xf32, #tpu.memory_space<vmem>>
      %dma_wait3A_415 = tpu.memref_slice %arg16[%mul3A_371] : memref<50176xf32, #tpu.memory_space<vmem_shared>> -> memref<3136xf32, #tpu.memory_space<vmem_shared>>
      %dma_wait3A_416 = tpu.memref_slice %arg16[%mul3A_371] : memref<50176xf32, #tpu.memory_space<vmem_shared>> -> memref<3136xf32, #tpu.memory_space<vmem_shared>>
      %dma_wait3A_417 = tpu.memref_slice %arg10[%multiple_of3A_369] : memref<50176xf32, #tpu.memory_space<vmem>> -> memref<3136xf32, #tpu.memory_space<vmem>>
      tpu.wait_dma2 semaphore(%run_scoped3A : memref<!tpu.dma_semaphore, #tpu.memory_space<semaphore_mem>>) src(%dma_wait3A_417 : memref<3136xf32, #tpu.memory_space<vmem>>) dst(%dma_wait3A_416 : memref<3136xf32, #tpu.memory_space<vmem_shared>>)
      tpu.yield
    }) : () -> ()
    %barrier3A_372 = arith.constant 0 : index
    tpu.barrier barrier_id(%barrier3A_372)
    %mul3A_373 = arith.constant 3136 : i32
    %mul3A_374 = arith.muli %rem3A_366, %mul3A_373 : i32
    %multiple_of3A_375 = tpu.assume_multiple %mul3A_374, 8 : i32
    "tpu.region"() ({
      %run_scoped3A = tpu.sem_alloc : memref<!tpu.dma_semaphore, #tpu.memory_space<semaphore_mem>>
      %dma_start3A = tpu.memref_slice %arg16[%multiple_of3A_375] : memref<50176xf32, #tpu.memory_space<vmem_shared>> -> memref<3136xf32, #tpu.memory_space<vmem_shared>>
      %dma_start3A_412 = tpu.memref_slice %arg16[%multiple_of3A_375] : memref<50176xf32, #tpu.memory_space<vmem_shared>> -> memref<3136xf32, #tpu.memory_space<vmem_shared>>
      tpu.enqueue_dma source(%dma_start3A_412 : memref<3136xf32, #tpu.memory_space<vmem_shared>>) target(%arg17 : memref<3136xf32, #tpu.memory_space<vmem>>) target_semaphore(%run_scoped3A : memref<!tpu.dma_semaphore, #tpu.memory_space<semaphore_mem>>)
      %dma_wait3A = tpu.memref_slice %arg16[%multiple_of3A_375] : memref<50176xf32, #tpu.memory_space<vmem_shared>> -> memref<3136xf32, #tpu.memory_space<vmem_shared>>
      %dma_wait3A_413 = tpu.memref_slice %arg16[%multiple_of3A_375] : memref<50176xf32, #tpu.memory_space<vmem_shared>> -> memref<3136xf32, #tpu.memory_space<vmem_shared>>
      tpu.wait_dma2 semaphore(%run_scoped3A : memref<!tpu.dma_semaphore, #tpu.memory_space<semaphore_mem>>) src(%dma_wait3A_413 : memref<3136xf32, #tpu.memory_space<vmem_shared>>) dst(%arg17 : memref<3136xf32, #tpu.memory_space<vmem>>)
      tpu.yield
    }) : () -> ()
    %scan3A_376 = arith.constant 0 : i32
    %scan3A_377 = arith.constant 0 : i32
    %scan3A_378 = arith.constant 196 : i32
    %scan3A_379 = arith.addi %scan3A_377, %scan3A_378 : i32
    %scan3A_380 = arith.constant 1 : i32
    scf.for %scan3A_412 = %scan3A_377 to %scan3A_379 step %scan3A_380  : i32 {
      %mul3A_413 = arith.constant 16 : i32
      %mul3A_414 = arith.muli %scan3A_412, %mul3A_413 : i32
      %get3A = arith.index_cast %mul3A_414 : i32 to index
      %get3A_415 = tpu.vector_load %arg18[%get3A] {strides = array<i32>} : memref<3136xf32, #tpu.memory_space<vmem>>, vector<16xf32>,
      %get3A_416 = arith.index_cast %mul3A_414 : i32 to index
      %get3A_417 = tpu.vector_load %arg17[%get3A_416] {strides = array<i32>} : memref<3136xf32, #tpu.memory_space<vmem>>, vector<16xf32>,
      %add3A_418 = arith.addf %get3A_415, %get3A_417 : vector<16xf32>
      %swap3A = arith.index_cast %mul3A_414 : i32 to index
      %swap3A_419 = tpu.vector_load %arg18[%swap3A] {strides = array<i32>} : memref<3136xf32, #tpu.memory_space<vmem>>, vector<16xf32>,
      tpu.vector_store %arg18[%swap3A], %add3A_418 {strides = array<i32>} : memref<3136xf32, #tpu.memory_space<vmem>>, vector<16xf32>,
    }
    %scan3A_381 = arith.constant 196 : i32
    %barrier3A_382 = arith.constant 0 : index
    tpu.barrier barrier_id(%barrier3A_382)
    %add3A_383 = arith.constant 15 : i32
    %add3A_384 = arith.addi %arg1, %add3A_383 : i32
    %rem3A_385 = arith.constant 16 : i32
    %rem3A_386 = arith.remsi %add3A_384, %rem3A_385 : i32
    %add3A_387 = arith.constant 16 : i32
    %add3A_388 = arith.addi %arg1, %add3A_387 : i32
    %sub3A_389 = arith.constant 15 : i32
    %sub3A_390 = arith.subi %add3A_388, %sub3A_389 : i32
    %rem3A_391 = arith.constant 16 : i32
    %rem3A_392 = arith.remsi %sub3A_390, %rem3A_391 : i32
    %mul3A_393 = arith.constant 3136 : i32
    %mul3A_394 = arith.muli %rem3A_386, %mul3A_393 : i32
    %multiple_of3A_395 = tpu.assume_multiple %mul3A_394, 8 : i32
    %mul3A_396 = arith.constant 3136 : i32
    %mul3A_397 = arith.muli %arg1, %mul3A_396 : i32
    "tpu.region"() ({
      %run_scoped3A = tpu.sem_alloc : memref<!tpu.dma_semaphore, #tpu.memory_space<semaphore_mem>>
      %dma_start3A = tpu.memref_slice %arg10[%multiple_of3A_395] : memref<50176xf32, #tpu.memory_space<vmem>> -> memref<3136xf32, #tpu.memory_space<vmem>>
      %dma_start3A_412 = tpu.memref_slice %arg16[%mul3A_397] : memref<50176xf32, #tpu.memory_space<vmem_shared>> -> memref<3136xf32, #tpu.memory_space<vmem_shared>>
      %dma_start3A_413 = tpu.memref_slice %arg16[%mul3A_397] : memref<50176xf32, #tpu.memory_space<vmem_shared>> -> memref<3136xf32, #tpu.memory_space<vmem_shared>>
      %dma_start3A_414 = tpu.memref_slice %arg10[%multiple_of3A_395] : memref<50176xf32, #tpu.memory_space<vmem>> -> memref<3136xf32, #tpu.memory_space<vmem>>
      tpu.enqueue_dma source(%dma_start3A_414 : memref<3136xf32, #tpu.memory_space<vmem>>) target(%dma_start3A_413 : memref<3136xf32, #tpu.memory_space<vmem_shared>>) target_semaphore(%run_scoped3A : memref<!tpu.dma_semaphore, #tpu.memory_space<semaphore_mem>>)
      %dma_wait3A = tpu.memref_slice %arg10[%multiple_of3A_395] : memref<50176xf32, #tpu.memory_space<vmem>> -> memref<3136xf32, #tpu.memory_space<vmem>>
      %dma_wait3A_415 = tpu.memref_slice %arg16[%mul3A_397] : memref<50176xf32, #tpu.memory_space<vmem_shared>> -> memref<3136xf32, #tpu.memory_space<vmem_shared>>
      %dma_wait3A_416 = tpu.memref_slice %arg16[%mul3A_397] : memref<50176xf32, #tpu.memory_space<vmem_shared>> -> memref<3136xf32, #tpu.memory_space<vmem_shared>>
      %dma_wait3A_417 = tpu.memref_slice %arg10[%multiple_of3A_395] : memref<50176xf32, #tpu.memory_space<vmem>> -> memref<3136xf32, #tpu.memory_space<vmem>>
      tpu.wait_dma2 semaphore(%run_scoped3A : memref<!tpu.dma_semaphore, #tpu.memory_space<semaphore_mem>>) src(%dma_wait3A_417 : memref<3136xf32, #tpu.memory_space<vmem>>) dst(%dma_wait3A_416 : memref<3136xf32, #tpu.memory_space<vmem_shared>>)
      tpu.yield
    }) : () -> ()
    %barrier3A_398 = arith.constant 0 : index
    tpu.barrier barrier_id(%barrier3A_398)
    %mul3A_399 = arith.constant 3136 : i32
    %mul3A_400 = arith.muli %rem3A_392, %mul3A_399 : i32
    %multiple_of3A_401 = tpu.assume_multiple %mul3A_400, 8 : i32
    "tpu.region"() ({
      %run_scoped3A = tpu.sem_alloc : memref<!tpu.dma_semaphore, #tpu.memory_space<semaphore_mem>>
      %dma_start3A = tpu.memref_slice %arg16[%multiple_of3A_401] : memref<50176xf32, #tpu.memory_space<vmem_shared>> -> memref<3136xf32, #tpu.memory_space<vmem_shared>>
      %dma_start3A_412 = tpu.memref_slice %arg16[%multiple_of3A_401] : memref<50176xf32, #tpu.memory_space<vmem_shared>> -> memref<3136xf32, #tpu.memory_space<vmem_shared>>
      tpu.enqueue_dma source(%dma_start3A_412 : memref<3136xf32, #tpu.memory_space<vmem_shared>>) target(%arg17 : memref<3136xf32, #tpu.memory_space<vmem>>) target_semaphore(%run_scoped3A : memref<!tpu.dma_semaphore, #tpu.memory_space<semaphore_mem>>)
      %dma_wait3A = tpu.memref_slice %arg16[%multiple_of3A_401] : memref<50176xf32, #tpu.memory_space<vmem_shared>> -> memref<3136xf32, #tpu.memory_space<vmem_shared>>
      %dma_wait3A_413 = tpu.memref_slice %arg16[%multiple_of3A_401] : memref<50176xf32, #tpu.memory_space<vmem_shared>> -> memref<3136xf32, #tpu.memory_space<vmem_shared>>
      tpu.wait_dma2 semaphore(%run_scoped3A : memref<!tpu.dma_semaphore, #tpu.memory_space<semaphore_mem>>) src(%dma_wait3A_413 : memref<3136xf32, #tpu.memory_space<vmem_shared>>) dst(%arg17 : memref<3136xf32, #tpu.memory_space<vmem>>)
      tpu.yield
    }) : () -> ()
    %scan3A_402 = arith.constant 0 : i32
    %scan3A_403 = arith.constant 0 : i32
    %scan3A_404 = arith.constant 196 : i32
    %scan3A_405 = arith.addi %scan3A_403, %scan3A_404 : i32
    %scan3A_406 = arith.constant 1 : i32
    scf.for %scan3A_412 = %scan3A_403 to %scan3A_405 step %scan3A_406  : i32 {
      %mul3A_413 = arith.constant 16 : i32
      %mul3A_414 = arith.muli %scan3A_412, %mul3A_413 : i32
      %get3A = arith.index_cast %mul3A_414 : i32 to index
      %get3A_415 = tpu.vector_load %arg18[%get3A] {strides = array<i32>} : memref<3136xf32, #tpu.memory_space<vmem>>, vector<16xf32>,
      %get3A_416 = arith.index_cast %mul3A_414 : i32 to index
      %get3A_417 = tpu.vector_load %arg17[%get3A_416] {strides = array<i32>} : memref<3136xf32, #tpu.memory_space<vmem>>, vector<16xf32>,
      %add3A_418 = arith.addf %get3A_415, %get3A_417 : vector<16xf32>
      %swap3A = arith.index_cast %mul3A_414 : i32 to index
      %swap3A_419 = tpu.vector_load %arg18[%swap3A] {strides = array<i32>} : memref<3136xf32, #tpu.memory_space<vmem>>, vector<16xf32>,
      tpu.vector_store %arg18[%swap3A], %add3A_418 {strides = array<i32>} : memref<3136xf32, #tpu.memory_space<vmem>>, vector<16xf32>,
    }
    %scan3A_407 = arith.constant 196 : i32
    %barrier3A_408 = arith.constant 0 : index
    tpu.barrier barrier_id(%barrier3A_408)
    %mul3A_409 = arith.constant 50176 : i32
    %mul3A_410 = arith.muli %arg0, %mul3A_409 : i32
    %add3A_411 = arith.addi %mul3A_410, %mul3A_16 : i32
    "tpu.region"() ({
      %run_scoped3A = tpu.sem_alloc : memref<!tpu.dma_semaphore, #tpu.memory_space<semaphore_mem>>
      %dma_start3A = tpu.memref_slice %arg8[%add3A_411] : memref<100352xf32, #tpu.memory_space<hbm>> -> memref<3136xf32, #tpu.memory_space<hbm>>
      %dma_start3A_412 = tpu.memref_slice %arg8[%add3A_411] : memref<100352xf32, #tpu.memory_space<hbm>> -> memref<3136xf32, #tpu.memory_space<hbm>>
      tpu.enqueue_dma source(%arg18 : memref<3136xf32, #tpu.memory_space<vmem>>) target(%dma_start3A_412 : memref<3136xf32, #tpu.memory_space<hbm>>) target_semaphore(%run_scoped3A : memref<!tpu.dma_semaphore, #tpu.memory_space<semaphore_mem>>)
      %dma_wait3A = tpu.memref_slice %arg8[%add3A_411] : memref<100352xf32, #tpu.memory_space<hbm>> -> memref<3136xf32, #tpu.memory_space<hbm>>
      %dma_wait3A_413 = tpu.memref_slice %arg8[%add3A_411] : memref<100352xf32, #tpu.memory_space<hbm>> -> memref<3136xf32, #tpu.memory_space<hbm>>
      tpu.wait_dma2 semaphore(%run_scoped3A : memref<!tpu.dma_semaphore, #tpu.memory_space<semaphore_mem>>) src(%arg18 : memref<3136xf32, #tpu.memory_space<vmem>>) dst(%dma_wait3A_413 : memref<3136xf32, #tpu.memory_space<hbm>>)
      tpu.yield
    }) : () -> ()
    return
  }
}

module attributes {stable_mosaic.version = 14 : i64} {
  func.func @_combine_body(%arg0: memref<2x392x128xf32, #tpu.memory_space<vmem>>, %arg1: memref<392x128xf32, #tpu.memory_space<vmem>>) attributes {dimension_semantics = [], scalar_prefetch = 0 : i64, scratch_operands = 0 : i64, tpu.core_type = #tpu.core_type<tc>} {
    %get3A = arith.constant 0 : index
    %get3A_0 = arith.constant 0 : index
    %get3A_1 = arith.constant 0 : index
    %get3A_2 = vector.load %arg0[%get3A, %get3A_0, %get3A_1] : memref<2x392x128xf32, #tpu.memory_space<vmem>>, vector<1x392x128xf32>
    %get3A_3 = vector.shape_cast %get3A_2 : vector<1x392x128xf32> to vector<392x128xf32>
    %get3A_4 = arith.constant 1 : index
    %get3A_5 = arith.constant 0 : index
    %get3A_6 = arith.constant 0 : index
    %get3A_7 = vector.load %arg0[%get3A_4, %get3A_5, %get3A_6] : memref<2x392x128xf32, #tpu.memory_space<vmem>>, vector<1x392x128xf32>
    %get3A_8 = vector.shape_cast %get3A_7 : vector<1x392x128xf32> to vector<392x128xf32>
    %add3A = arith.addf %get3A_3, %get3A_8 : vector<392x128xf32>
    %mul3A = arith.constant 1.000000e+00 : f32
    %mul3A_9 = vector.broadcast %mul3A : f32 to vector<392x128xf32>
    %mul3A_10 = arith.mulf %add3A, %mul3A_9 : vector<392x128xf32>
    %swap3A = arith.constant 0 : index
    %swap3A_11 = arith.constant 0 : index
    %swap3A_12 = vector.load %arg1[%swap3A, %swap3A_11] : memref<392x128xf32, #tpu.memory_space<vmem>>, vector<392x128xf32>
    tpu.vector_store %arg1[%swap3A, %swap3A_11], %mul3A_10 {strides = array<i32>} : memref<392x128xf32, #tpu.memory_space<vmem>>, vector<392x128xf32>,
    return
  }
}

</mosaic_0001>

<sc_bundles>
// kernel: kernel.4.cloned.1.call-start
scs
__scs_entry_jumppad:
0x0: {  	(pc) =	sbr.rel $0x88, $3  }
0x1: {  	(tag) =	ssettag $0x0;
	lr =	simm.s32 $0x1  }
0x2: {  	[smem:$0x3F9C] =	sst lr;
	_ =	strace $0xD0000000  }
0x3: {  	_ = 	snop  }
0x4: {  	_ = 	snop  }
0x5: {  	_ = 	snop  }
0x6: {  	_ = 	snop  }
0x7: {  	_ = 	snop  }
__scs_overlays_trampoline_lowered:
0x8: {  	[smem:$0x3FAB] =	sst s0  }
0x9: {  	[smem:$0x3FAC] =	sst s1  }
0xa: {  	[smem:$0x3FAD] =	sst s2  }
0xb: {  	[smem:$0x3FAE] =	sst s3  }
0xc: {  	[smem:$0x3FAF] =	sst s4  }
0xd: {  	[smem:$0x3FB0] =	sst s5  }
0xe: {  	[smem:$0x3FB1] =	sst s6  }
0xf: {  	[smem:$0x3FB2] =	sst s7  }
0x10: {  	[smem:$0x3FB3] =	sst s8  }
0x11: {  	[smem:$0x3FB4] =	sst s9;
	s0 =	simm.s32 @!p0 $0x0  }
0x12: {  	s1 =	sld [smem:$0x3F9A];
	s0 =	simm.s32 @p0 $0x1  }
0x13: {  	[smem:$0x3FB5] =	sst s0;
	s0 =	simm.s32 @!p1 $0x0  }
0x14: {  	s2 =	sld [smem:$0x3F99];
	s0 =	simm.s32 @p1 $0x1  }
0x15: {  	[smem:$0x3FB6] =	sst s0;
	s0 =	simm.s32 @!p2 $0x0  }
0x16: {  	s3 =	sld [smem:$0x3FDB];
	s0 =	simm.s32 @p2 $0x1  }
0x17: {  	s4 =	simm.s32 $0x1BF5;
	[smem:$0x3FB8] =	sst s0  }
0x18: {  	s0 =	sld [smem:$0x3F9B];
	_ =	swait.ge [sflag:s4], $0x0  }
0x19: {  	s7 =	sld [smem:$0x3F9C]  }
0x1a: {  	s8 =	sadd.s32 $0xFFFFE003, lr  }
0x1b: {  	s9 =	sadd.s32 $0xFFFFFEF7, lr;
	s5 =	simm.s32 $0xFFFFFFFF;
	p2 =	slt.u32 s8, $0xFFFFF086  }
0x1c: {  	p1 =	slt.u32 s9, $0xF7A;
	s5 =	simm.s32 @!p2 $0x0  }
0x1d: {  	s5 =	simm.s32 @p1 $0x1;
	p0 =	seq.s32 s7, s2  }
0x1e: {  	s7 =	smul.u32 @!p0 $0xF7A, s2;
	p2 =	seq.s32 @!p0 s5, $0x0  }
0x1f: {  	s9 =	smul.u32 $0xF7A, s1;
	s8 =	simm.s32 @!p0 $0x1BF5;
	p2 =	por !p2, p0  }
0x20: {  	[sflag:s8] =	ssyncset.s32 @!p0 $0xFFFFF086;
	s6 =	sadd.s32 @!p0 s3, s7;
	s7 =	simm.s32 @!p0 $0x108  }
0x21: {  	s3 =	sadd.s32 s3, s9;
	s6 =	sadd.s32 @!p0 $0x88, s6;
	s7 =	simm.s32 @p2 $0x1082  }
0x22: {  	[simem:s7], [sflag:s8] =	dma.local @!p0 [hbm:s6], $0xF7A  }
0x23: {  	s9 =	sor.u32 $0xD0000000, s2;
	s6 =	simm.s32 $0x108;
	_ =	swait.ge @!p0 [sflag:s8], $0x0  }
0x24: {  	s3 =	sadd.s32 $0x88, s3;
	s6 =	simm.s32 @!p1 $0x1082;
	[sflag:s4] =	ssyncset.s32 $0xFFFFF086  }
0x25: {  	[simem:s6], [sflag:s4] =	dma.local [hbm:s3], $0xF7A  }
0x26: {  	[smem:$0x3F9C] =	sst s1;
	(tag) =	ssettag s2;
	_ =	strace s9  }
0x27: {  	s1 =	sld [smem:$0x3FAC]  }
0x28: {  	s2 =	sld [smem:$0x3FAD]  }
0x29: {  	s4 =	sld [smem:$0x3FAF]  }
0x2a: {  	p0 =	seq.s32 s5, $0x0;
	s5 =	sld [smem:$0x3FB0]  }
0x2b: {  	s6 =	sld [smem:$0x3FB1]  }
0x2c: {  	s7 =	sld [smem:$0x3FB2]  }
0x2d: {  	s3 =	simm.s32 $0x108;
	s8 =	sld [smem:$0x3FB3]  }
0x2e: {  	s3 =	simm.s32 @!p0 $0x1082;
	s9 =	sld [smem:$0x3FB4]  }
0x2f: {  	lr =	sadd.s32 s0, s3;
	s0 =	sld [smem:$0x3FAB]  }
0x30: {  	s3 =	sld [smem:$0x3FAE]  }
0x31: {  	[smem:$0x3FB7] =	sst s10  }
0x32: {  	s10 =	sld [smem:$0x3FB5];
	_ =	sdelay $0x3  }
0x33: {  	p0 =	seq.s32 s10, $0x1;
	s10 =	sld [smem:$0x3FB7];
	_ =	sdelay $0x3  }
0x34: {  	[smem:$0x3FB7] =	sst s10  }
0x35: {  	s10 =	sld [smem:$0x3FB6];
	_ =	sdelay $0x3  }
0x36: {  	p1 =	seq.s32 s10, $0x1;
	s10 =	sld [smem:$0x3FB7];
	_ =	sdelay $0x3  }
0x37: {  	[smem:$0x3FB7] =	sst s10  }
0x38: {  	s10 =	sld [smem:$0x3FB8]  }
0x39: {  	_ = 	snop;
	(pc) =	sbr.ind lr, $3  }
0x3a: {  	_ = 	snop  }
0x3b: {  	_ = 	snop  }
0x3c: {  	p2 =	seq.s32 s10, $0x1;
	s10 =	sld [smem:$0x3FB7]  }
0x3d: {  	_ =	shalt  }
0x3e: {  	_ =	shalt  }
0x3f: {  	_ =	shalt  }
0x40: {  	_ =	shalt  }
0x41: {  	_ =	shalt  }
0x42: {  	_ =	shalt  }
0x43: {  	_ =	shalt  }
0x44: {  	_ =	shalt  }
0x45: {  	_ =	shalt  }
0x46: {  	_ =	shalt  }
0x47: {  	_ =	shalt  }
0x48: {  	_ =	shalt  }
0x49: {  	_ =	shalt  }
0x4a: {  	_ =	shalt  }
0x4b: {  	_ =	shalt  }
0x4c: {  	_ =	shalt  }
0x4d: {  	_ =	shalt  }
0x4e: {  	_ =	shalt  }
0x4f: {  	_ =	shalt  }
0x50: {  	_ =	shalt  }
0x51: {  	_ =	shalt  }
0x52: {  	_ =	shalt  }
0x53: {  	_ =	shalt  }
0x54: {  	_ =	shalt  }
0x55: {  	_ =	shalt  }
0x56: {  	_ =	shalt  }
0x57: {  	_ =	shalt  }
0x58: {  	_ =	shalt  }
0x59: {  	_ =	shalt  }
0x5a: {  	_ =	shalt  }
0x5b: {  	_ =	shalt  }
0x5c: {  	_ =	shalt  }
0x5d: {  	_ =	shalt  }
0x5e: {  	_ =	shalt  }
0x5f: {  	_ =	shalt  }
0x60: {  	_ =	shalt  }
0x61: {  	_ =	shalt  }
0x62: {  	_ =	shalt  }
0x63: {  	_ =	shalt  }
0x64: {  	_ =	shalt  }
0x65: {  	_ =	shalt  }
0x66: {  	_ =	shalt  }
0x67: {  	_ =	shalt  }
0x68: {  	_ =	shalt  }
0x69: {  	_ =	shalt  }
0x6a: {  	_ =	shalt  }
0x6b: {  	_ =	shalt  }
0x6c: {  	_ =	shalt  }
0x6d: {  	_ =	shalt  }
0x6e: {  	_ =	shalt  }
0x6f: {  	_ =	shalt  }
0x70: {  	_ =	shalt  }
0x71: {  	_ =	shalt  }
0x72: {  	_ =	shalt  }
0x73: {  	_ =	shalt  }
0x74: {  	_ =	shalt  }
0x75: {  	_ =	shalt  }
0x76: {  	_ =	shalt  }
0x77: {  	_ =	shalt  }
0x78: {  	_ =	shalt  }
0x79: {  	_ =	shalt  }
0x7a: {  	_ =	shalt  }
0x7b: {  	_ =	shalt  }
0x7c: {  	_ =	shalt  }
0x7d: {  	_ =	shalt  }
0x7e: {  	_ =	shalt  }
0x7f: {  	_ =	shalt  }
0x80: {  	_ =	shalt  }
0x81: {  	_ =	shalt  }
0x82: {  	_ =	shalt  }
0x83: {  	_ =	shalt  }
0x84: {  	_ =	shalt  }
0x85: {  	_ =	shalt  }
0x86: {  	_ =	shalt  }
0x87: {  	_ =	shalt  }
.Lfunc_end0:
.L_simem_size_0:
called_computation_lowered:
.L_overlay_start_0:
0x88: {  	s2 =	sld [smem:$0x3FD9]  }
0x89: {  	s3 =	sld [smem:$0x3FFE];
	_ =	sdelay $0x1  }
0x8a: {  	s1 =	srdreg.scid  }
0x8b: {  	s0 =	sand.u32 $0x1, s1  }
0x8c: {  	s17 =	sshll.u32 s0, $0xA;
	s2 =	sadd.s32 s3, s2  }
0x8d: {  	s2 =	sadd.s32 s2, s17  }
0x8e: {  	[smem:$0x3FC3] =	sst s2  }
0x8f: {  	_ = 	snop  }
0x90: {  	s2 =	sld [smem:$0x3FC9]  }
0x91: {  	s18 =	sld [smem:$0x3FC7]  }
0x92: {  	s4 =	sld [smem:$0x3FC6]  }
0x93: {  	s5 =	sld [smem:$0x3FC5];
	(tm) =	ssettm $0x1  }
0x94: {  	s6 =	sld [smem:$0x3FFB];
	_ =	sdelay $0x3  }
0x95: {  	_ =	strace s6  }
0x96: {  	s6 =	sld [smem:$0x3FFC];
	_ =	sdelay $0x3  }
0x97: {  	_ =	strace s6  }
0x98: {  	s6 =	sld [smem:$0x3FFD];
	_ =	sdelay $0x3  }
0x99: {  	_ =	strace s6  }
0x9a: {  	_ =	strace $0x8FFFFFFF  }
0x9b: {  	s19 =	sld [smem:$0x3FDB];
	_ =	sdelay $0x1  }
0x9c: {  	s7 =	simm.s32 $_scs_section_size  }
0x9d: {  	s8 =	simm.s32 $_size__tile_overlayer_lowered;
	s9 =	simm.s32 $_tile_overlayer_lowered  }
0x9e: {  	s22 =	simm.s32 $0x1BFF;
	s21 =	sshll.u32 s9, $0x1;
	s6 =	sadd.s32 s7, s19  }
0x9f: {  	s10 =	simm.s32 $0x0;
	s20 =	sshll.u32 s8, $0x1;
	s8 =	sadd.s32 s21, s6  }
0xa0: {  	[timem:s10], [sflag:s22] =	dma.local [hbm:s8], s20  }
0xa1: {  	_ =	swait.ge [sflag:s22], s20  }
0xa2: {  	s7 =	ssub.s32 $0x0, s20;
	[sflag:s22] =	ssyncset.done $0x0  }
0xa3: {  	[sflag:s22] =	ssyncadd.s32 s7;
	_ =	sdelay $0x1  }
0xa4: {  	s23 =	simm.s32 $0x1B8B  }
0xa5: {  	_ =	swait.ge [sflag:s23], $0x1  }
0xa6: {  	[sflag:s23] =	ssyncset.done $0x0  }
0xa7: {  	s25 =	simm.s32 $0x1B8E;
	s24 =	sld [smem:$0x3FFE];
	[sflag:s23] =	ssyncadd.s32 $0xFFFFFFFF  }
0xa8: {  	s26 =	simm.s32 $execute0_lowered;
	[smem:$0x3FD2] =	sst s25  }
0xa9: {  	s8 =	sshll.u32 s26, $0x1;
	_ =	strace $0x80000046;
	[dreg:$0x1] =	wrdreg $0xFFFFFFFF  }
0xaa: {  	s28 =	simm.s32 $_size_execute0_lowered;
	s6 =	sadd.s32 s6, s8;
	[dreg:$0x0] =	wrdreg $0x0  }
0xab: {  	s8 =	sshll.u32 s28, $0x1;
	[dreg:$0x2] =	wrdreg s6  }
0xac: {  	[dreg:$0x3] =	wrdreg s8  }
0xad: {  	[dreg:$0x4] =	wrdreg $0xC0  }
0xae: {  	_ =	task [dreg:s10], $0x5FFFF  }
0xaf: {  	[dreg:$0x1] =	wrdreg $0xFFFFFFFF  }
0xb0: {  	[dreg:$0x0] =	wrdreg $0x60  }
0xb1: {  	[dreg:$0x2] =	wrdreg s2  }
0xb2: {  	[dreg:$0x3] =	wrdreg s24  }
0xb3: {  	[dreg:$0x4] =	wrdreg s18  }
0xb4: {  	[dreg:$0x5] =	wrdreg s4  }
0xb5: {  	[dreg:$0x6] =	wrdreg s5  }
0xb6: {  	[dreg:$0x7] =	wrdreg $0x1AF800  }
0xb7: {  	[dreg:$0x8] =	wrdreg $0x9  }
0xb8: {  	_ =	task.clear_ibuf [dreg:s10], $0x9FFFF;
	_ =	strace $0x90000046  }
0xb9: {  	s29 =	simm.s32 $0x9;
	_ =	strace $0x80000048  }
0xba: {  	_ =	swait.ge [sflag:s29], $0x1  }
0xbb: {  	[sflag:s29] =	ssyncadd.s32 $0xFFFFFFFF  }
0xbc: {  	_ =	strace $0x90000048  }
0xbd: {  	_ =	sfence  }
0xbe: {  	s30 =	sld [smem:$0x0];
	_ =	sdelay $0x2  }
0xbf: {  	s31 =	sshll.u32 s1, $0xD;
	s1 =	sshrl.u32 s1, $0x2  }
0xc0: {  	s3 =	sand.u32 $0x4000, s31;
	s1 =	sadd.s32 s1, s30  }
0xc1: {  	s0 =	sor.u32 s3, s0;
	s1 =	sshll.u32 s1, $0x11  }
0xc2: {  	s0 =	sor.u32 s1, s0  }
0xc3: {  	s0 =	sadd.s32 $0x8F2B, s0  }
0xc4: {  	[sflag:s0] =	ssyncadd.remote.s32 $0x1  }
0xc5: {  	_ =	sfence.sel $0xFFFF  }
0xc6: {  	[dreg:$0x0] =	wrdreg $0xFFFFFFFF;
	(pc) =	sbr.abs _section_cstart, $3  }
0xc7: {  	[dreg:$0x1] =	wrdreg $0xFFFFFFFF  }
0xc8: {  	_ =	task.clear_ibuf [dreg:s10], $0x2FFFF;
	_ =	strace $0x9FFFFFFF  }
0xc9: {  	(tm) =	ssettm $0x7FFFFFFF  }
tec
execute0_lowered:
.L_overlay_start_1:
0x0: {  	(tag) =	ssettag $0x1  }
0x1: {  	s1 =	rddreg [dreg:$0x1]  }
0x2: {  	s3 =	rddreg [dreg:$0x2]  }
0x3: {  	s4 =	rddreg [dreg:$0x3]  }
0x4: {  	s6 =	rddreg [dreg:$0x4];
	s2 =	srdreg.scid  }
0x5: {  	s25 =	stileid.u32;
	s0 =	rddreg [dreg:$0x5];
	s7 =	simm.s32 $0x0  }
0x6: {  	s2 =	sand.u32 $0x1, s2;
	s5 =	smul.u32 $0xC40, s25;
	[smem:$0x7FF] =	sst s7  }
0x7: {  	s31 =	sadd.s32 $0x1, s25;
	s12 =	sadd.s32 $0xFFFFFFFF, s25;
	s14 =	sadd.s32 $0xE, s25  }
0x8: {  	s16 =	sadd.s32 $0x3, s25;
	s18 =	sadd.s32 $0xD, s25;
	s8 =	smul.u32 $0xC400, s2  }
0x9: {  	s9 =	ssub.s32 $0x2, s2;
	s2 =	sshll.u32 s2, $0x4;
	s11 =	sand.u32 $0xF, s31  }
0xa: {  	s30 =	sshrl.u32 s9, $0x1;
	s2 =	sor.u32 s25, s2;
	s8 =	sadd.s32 s5, s8  }
0xb: {  	s17 =	ssub.s32 s9, s30;
	s10 =	sshrl.u32 s8, $0x3;
	s8 =	smul.u32 $0xC350, s2  }
0xc: {  	s9 =	sand.u32 $0xF, s12;
	s2 =	smul.u32 $0xC40, s11;
	s11 =	sadd.s32 $0x2, s25  }
0xd: {  	s19 =	sadd.s32 $0x4, s25;
	s15 =	smul.u32 $0xC40, s9;
	s13 =	sand.u32 $0xF, s11  }
0xe: {  	s20 =	sadd.s32 $0xC, s25;
	s11 =	sand.u32 $0xF, s14;
	s12 =	smul.u32 $0xC40, s13  }
0xf: {  	s21 =	sadd.s32 $0x5, s25;
	s9 =	sand.u32 $0xF, s16;
	s14 =	smul.u32 $0xC40, s11  }
0x10: {  	s22 =	sadd.s32 $0xB, s25;
	s11 =	sand.u32 $0xF, s18;
	s13 =	smul.u32 $0xC40, s9  }
0x11: {  	s23 =	sadd.s32 $0x6, s25;
	s9 =	sand.u32 $0xF, s19;
	s16 =	smul.u32 $0xC40, s11  }
0x12: {  	s24 =	sadd.s32 $0x7, s25;
	s11 =	sand.u32 $0xF, s20;
	s18 =	smul.u32 $0xC40, s9  }
0x13: {  	s9 =	sand.u32 $0xF, s21;
	s21 =	sadd.s32 $0xA, s25;
	s19 =	smul.u32 $0xC40, s11  }
0x14: {  	s11 =	sand.u32 $0xF, s22;
	s20 =	smul.u32 $0xC40, s9;
	s9 =	sand.u32 $0xF, s23  }
0x15: {  	s23 =	sadd.s32 $0x9, s25;
	s22 =	smul.u32 $0xC40, s9;
	s9 =	sand.u32 $0xF, s24  }
0x16: {  	s25 =	sxor.u32 $0x8, s25;
	s26 =	sand.u32 $0xF, s23;
	s29 =	smul.u32 $0xC40, s9  }
0x17: {  	s24 =	sadd.s32 s10, s1;
	s10 =	smul.u32 $0xC40, s26;
	s26 =	sadd.s32 $0xC380, s5  }
0x18: {  	s9 =	sadd.s32 s5, s0;
	s5 =	smul.u32 $0xC40, s25;
	s25 =	sadd.s32 $0xC380, s20  }
0x19: {  	_ =	strace $0x80000047;
	s20 =	sadd.s32 s20, s0;
	[dreg:$0xb] =	wrdreg s25  }
0x1a: {  	s31 =	sadd.s32 $0xC380, s22;
	[dreg:$0xc] =	wrdreg s20  }
0x1b: {  	s22 =	sadd.s32 s22, s0;
	[dreg:$0x9] =	wrdreg s31  }
0x1c: {  	s20 =	sadd.s32 s15, s0;
	[dreg:$0xa] =	wrdreg s22  }
0x1d: {  	s25 =	sadd.s32 s19, s0;
	[dreg:$0x15] =	wrdreg s20  }
0x1e: {  	s30 =	sadd.s32 $0xC380, s29;
	[dreg:$0x18] =	wrdreg s25  }
0x1f: {  	s28 =	simm.s32 $0x0;
	s23 =	sadd.s32 s29, s0;
	[dreg:$0x7] =	wrdreg s30  }
0x20: {  	s17 =	smax.u32 s17, $0x1;
	s29 =	sadd.s32 $0xC380, s18;
	[dreg:$0x8] =	wrdreg s23  }
0x21: {  	s21 =	sand.u32 $0xF, s21;
	s18 =	sadd.s32 s18, s0;
	[dreg:$0xd] =	wrdreg s29  }
0x22: {  	s11 =	smul.u32 $0xC40, s11;
	s31 =	sadd.s32 $0xC380, s12;
	[dreg:$0xe] =	wrdreg s18  }
0x23: {  	s21 =	smul.u32 $0xC40, s21;
	s12 =	sadd.s32 s12, s0;
	[dreg:$0x11] =	wrdreg s31  }
0x24: {  	s15 =	sadd.s32 $0xC380, s15;
	s22 =	sadd.s32 s14, s0;
	[dreg:$0x12] =	wrdreg s12  }
0x25: {  	v0 =	vmov s26;
	s26 =	simm.s32 $0x1BBC0;
	s30 =	sadd.s32 $0xC380, s13;
	[dreg:$0x16] =	wrdreg s22  }
0x26: {  	s14 =	sadd.s32 $0xC380, s14;
	s13 =	sadd.s32 s13, s0;
	[dreg:$0xf] =	wrdreg s30  }
0x27: {  	s20 =	simm.s32 $0x18780;
	s18 =	sadd.s32 $0xC380, s2;
	[dreg:$0x10] =	wrdreg s13  }
0x28: {  	s25 =	simm.s32 $0xC380;
	s2 =	sadd.s32 s2, s0;
	[dreg:$0x13] =	wrdreg s18  }
0x29: {  	s23 =	sadd.s32 s16, s0;
	s29 =	sadd.s32 s11, s0;
	[dreg:$0x14] =	wrdreg s2  }
0x2a: {  	s31 =	sadd.s32 s10, s0;
	s11 =	sadd.s32 $0xC380, s11;
	[dreg:$0x17] =	wrdreg s23  }
0x2b: {  	s12 =	sadd.s32 $0xC380, s19;
	s19 =	simm.s32 $0x1;
	[dreg:$0x19] =	wrdreg s29  }
0x2c: {  	s22 =	simm.s32 $0x19780;
	s30 =	sadd.s32 s21, s0;
	[dreg:$0x1b] =	wrdreg s31  }
0x2d: {  	s0 =	sadd.s32 s5, s0;
	s2 =	sadd.s32 $0xC380, s5;
	s13 =	sadd.s32 $0xC380, s16  }
0x2e: {  	s16 =	sadd.s32 $0x61C00, s24;
	s18 =	sadd.s32 $0x30E00, s1;
	[dreg:$0x1a] =	wrdreg s30  }
0x2f: {  	s23 =	simm.s32 $0x19F80;
	s24 =	simm.s32 $0x1A780;
	[dreg:$0x1c] =	wrdreg s0  }
0x30: {  	v1 =	vimm.f32 $0.0e+00;
	s0 =	sadd.s32 $0xC380, s10;
	s10 =	sadd.s32 $0xC380, s21;
	s21 =	simm.s32 $0x18F80  }
.LBB2_1:
0x31: {  	s5 =	rddreg [dreg:$0x0]  }
0x32: {  	[tilespmem:s7], [sflag:$0x1] =	stream.linear.gather [hbm4b:s5+s7], $0xC380, $0x38;
	[tilespmem:$0x1D4C0] =	vst v63  }
0x33: {  	_ =	swait.ge [sflag:s19], $0xC380  }
0x34: {  	[sflag:s19] =	ssyncset.done $0x0  }
0x35: {  	s29 =	simm.s32 $0x0;
	s5 =	simm.s32 $0x40;
	[sflag:s19] =	ssyncadd.s32 $0xFFFF3C80  }
.LBB2_2:
0x36: {  	p0 =	sne.s32 s5, $0x30FC0;
	[tilespmem:s29+$0xC380] =	vst v1;
	s29 =	smov.u32 s5;
	s5 =	sadd.s32 $0x40, s5  }
.Ltmp0:
0x37: {  	(pc) =	sbr.rel @p0 .LBB2_2-.Ltmp0, $2  }
0x38: {  	_ =	sdelay $0x2  }
0x39: {  	s29 =	sshra.s32 s29, $0x2  }
0x3a: {  	[tilespmem:s29+$0xC380] =	vst v1;
	s29 =	simm.s32 $0x0;
	s30 =	simm.s32 $0x0  }
.LBB2_4:
0x3b: {  	s5 =	smul.u32 $0x7D0, s30;
	_ =	sdelay $0x1  }
0x3c: {  	s5 =	sadd.s32 s8, s5  }
0x3d: {  	s5 =	sshrl.u32 s5, $0x3  }
0x3e: {  	s31 =	sadd.s32 s18, s5  }
0x3f: {  	[tilespmem:s20], [sflag:$0x1] =	stream.linear.gather [hbm4b:s31+s29], $0x7D0, $0x38;
	[tilespmem:$0x1D4C0] =	vst v63  }
0x40: {  	_ =	swait.ge [sflag:s19], $0x7D0  }
0x41: {  	[sflag:s19] =	ssyncset.done $0x0  }
0x42: {  	s31 =	sadd.s32 s1, s5;
	[sflag:s19] =	ssyncadd.s32 $0xFFFFF830  }
0x43: {  	[tilespmem:s21], [sflag:$0x1] =	stream.linear.gather [hbm4b:s31+s29], $0x7D0, $0x38;
	[tilespmem:$0x1D4C0] =	vst v63  }
0x44: {  	_ =	swait.ge [sflag:s19], $0x7D0  }
0x45: {  	[sflag:s19] =	ssyncset.done $0x0  }
0x46: {  	s31 =	sadd.s32 s3, s5;
	[sflag:s19] =	ssyncadd.s32 $0xFFFFF830  }
0x47: {  	[tilespmem:s22], [sflag:$0x1] =	stream.linear.gather [hbm4b:s31+s29], $0x7D0, $0x38;
	[tilespmem:$0x1D4C0] =	vst v63  }
0x48: {  	_ =	swait.ge [sflag:s19], $0x7D0  }
0x49: {  	[sflag:s19] =	ssyncset.done $0x0  }
0x4a: {  	s31 =	sadd.s32 s4, s5;
	[sflag:s19] =	ssyncadd.s32 $0xFFFFF830  }
0x4b: {  	[tilespmem:s23], [sflag:$0x1] =	stream.linear.gather [hbm4b:s31+s29], $0x7D0, $0x38;
	[tilespmem:$0x1D4C0] =	vst v63  }
0x4c: {  	_ =	swait.ge [sflag:s19], $0x7D0  }
0x4d: {  	[sflag:s19] =	ssyncset.done $0x0  }
0x4e: {  	s5 =	sadd.s32 s6, s5;
	[sflag:s19] =	ssyncadd.s32 $0xFFFFF830  }
0x4f: {  	[tilespmem:s24], [sflag:$0x1] =	stream.linear.gather [hbm4b:s5+s29], $0x7D0, $0x38;
	[tilespmem:$0x1D4C0] =	vst v63  }
0x50: {  	_ =	swait.ge [sflag:s19], $0x7D0  }
0x51: {  	[sflag:s19] =	ssyncset.done $0x0  }
0x52: {  	s5 =	simm.s32 $0x0;
	[sflag:s19] =	ssyncadd.s32 $0xFFFFF830  }
0x53: {  	s31 =	simm.s32 $0x40;
	v2 =	vld [tilespmem:s5+$0x18F80]  }
.LBB2_5:
0x54: {  	p0 =	sne.s32 s31, $0x1F00;
	v3 =	vld [tilespmem:s5+$0x18780];
	_ =	sdelay $0x6  }
0x55: {  	v4 =	vld.idx.msk [tilespmem:v2+s7+$0x0], $0xffff  }
0x56: {  	v5 =	vld.idx.msk [tilespmem:v3+s7+$0x0], $0xffff;
	_ =	sdelay $0x2  }
0x57: {  	v6 =	vld [tilespmem:s5+$0x19F80];
	_ =	sdelay $0x1  }
0x58: {  	v7 =	vld [tilespmem:s5+$0x1A780]  }
0x59: {  	v4 =	vsub.f32 v5, v4;
	_ =	sdelay $0x1  }
0x5a: {  	v5 =	vld [tilespmem:s5+$0x19780];
	v4 =	vmul.f32 v6, v4;
	_ =	sdelay $0x1  }
0x5b: {  	v4 =	vadd.f32 v7, v4;
	_ =	sdelay $0x1  }
0x5c: {  	v4 =	vmax.f32 v4, $0.0e+00  }
0x5d: {  	v4 =	vmul.f32 v4, v5  }
.Ltmp1:
0x5e: {  	(pc) =	sbr.rel @p0 .LBB2_5-.Ltmp1, $4  }
0x5f: {  	v5 =	vsub.f32 $0.0e+00, v4  }
0x60: {  	[tilespmem:v2+s25+$0x0] =	vst.idx.add.f32.msk $0xffff, v4  }
0x61: {  	s5 =	sshra.s32 s31, $0x2;
	[tilespmem:v3+s25+$0x0] =	vst.idx.add.f32.msk $0xffff, v5  }
0x62: {  	s31 =	sadd.s32 $0x40, s31;
	v2 =	vld [tilespmem:s5+$0x18F80]  }
0x63: {  	_ = 	snop  }
0x64: {  	v3 =	vld [tilespmem:s5+$0x18780];
	_ =	sdelay $0x6  }
0x65: {  	v4 =	vld.idx.msk [tilespmem:v2+s7+$0x0], $0xffff  }
0x66: {  	v5 =	vld.idx.msk [tilespmem:v3+s7+$0x0], $0xffff;
	_ =	sdelay $0x1  }
0x67: {  	v6 =	vld [tilespmem:s5+$0x19F80];
	_ =	sdelay $0x1  }
0x68: {  	v7 =	vld [tilespmem:s5+$0x1A780]  }
0x69: {  	v4 =	vsub.f32 v5, v4;
	_ =	sdelay $0x1  }
0x6a: {  	v63 =	vld [tilespmem:s5+$0x19780];
	v4 =	vmul.f32 v6, v4;
	_ =	sdelay $0x1  }
0x6b: {  	v4 =	vadd.f32 v7, v4  }
0x6c: {  	s30 =	sadd.s32 $0x1, s30  }
0x6d: {  	p0 =	sne.s32 s30, $0x19;
	v4 =	vmax.f32 v4, $0.0e+00  }
.Ltmp2:
0x6e: {  	v4 =	vmul.f32 v4, v63;
	(pc) =	sbr.rel @p0 .LBB2_4-.Ltmp2, $4  }
0x6f: {  	_ = 	snop  }
0x70: {  	v5 =	vsub.f32 $0.0e+00, v4  }
0x71: {  	[tilespmem:v2+s25+$0x0] =	vst.idx.add.f32.msk $0xffff, v4  }
0x72: {  	[tilespmem:v3+s25+$0x0] =	vst.idx.add.f32.msk $0xffff, v5  }
0x73: {  	s5 =	simm.s32 $0x0;
	s29 =	simm.s32 $0x40  }
.LBB2_8:
0x74: {  	p0 =	sne.s32 s29, $0x30C0;
	v2 =	vld.idx.msk [tilespmem:v0+s5+$0x0 ss:$0x1], $0xffff;
	_ =	sdelay $0x1  }
.Ltmp3:
0x75: {  	(pc) =	sbr.rel @p0 .LBB2_8-.Ltmp3, $2  }
0x76: {  	_ =	sdelay $0x2  }
0x77: {  	[tilespmem:s5+$0x1C840] =	vst v2;
	s5 =	sshra.s32 s29, $0x2;
	s29 =	sadd.s32 $0x40, s29  }
0x78: {  	_ =	sdelay $0x3  }
0x79: {  	v2 =	vld.idx.msk [tilespmem:v0+s5+$0x0 ss:$0x1], $0xffff;
	_ =	sdelay $0x4  }
0x7a: {  	s30 =	rddreg [dreg:$0x13];
	[tilespmem:s5+$0x1C840] =	vst v2  }
0x7b: {  	[spmem:s9] =	stream.linear.scatter [tilespmem:s30], [sflag:$0x1], $0xC40, $0x38;
	[tilespmem:$0x1D4C0] =	vst v63  }
0x7c: {  	_ =	swait.ge [sflag:s19], $0xC40  }
0x7d: {  	[sflag:s19] =	ssyncset.done $0x0  }
0x7e: {  	[sflag:s19] =	ssyncadd.s32 $0xFFFFF3C0  }
0x7f: {  	[bflag:$0x0] =	sbarrier.arrive $0xFFFF  }
0x80: {  	s31 =	rddreg [dreg:$0x15]  }
0x81: {  	[tilespmem:s26], [sflag:$0x1] =	stream.linear.gather [spmem:s31], $0xC40, $0x38;
	[tilespmem:$0x1D4C0] =	vst v63  }
0x82: {  	_ =	swait.ge [sflag:s19], $0xC40  }
0x83: {  	[sflag:s19] =	ssyncset.done $0x0  }
0x84: {  	s5 =	simm.s32 $0x0;
	[sflag:s19] =	ssyncadd.s32 $0xFFFFF3C0  }
0x85: {  	s29 =	simm.s32 $0x40;
	v2 =	vld [tilespmem:s5+$0x1BBC0]  }
.LBB2_10:
0x86: {  	p0 =	sne.s32 s29, $0x30C0;
	v3 =	vld [tilespmem:s5+$0x1C840];
	_ =	sdelay $0x2  }
.Ltmp4:
0x87: {  	(pc) =	sbr.rel @p0 .LBB2_10-.Ltmp4, $4  }
0x88: {  	_ = 	snop  }
0x89: {  	v3 =	vadd.f32 v2, v3  }
0x8a: {  	s30 =	sshra.s32 s29, $0x2  }
0x8b: {  	s29 =	sadd.s32 $0x40, s29;
	v2 =	vld [tilespmem:s30+$0x1BBC0];
	[tilespmem:s5+$0x1C840] =	vst v3;
	s5 =	smov.u32 s30  }
0x8c: {  	v3 =	vld [tilespmem:s5+$0x1C840];
	_ =	sdelay $0x4  }
0x8d: {  	v2 =	vadd.f32 v2, v3;
	_ =	sdelay $0x1  }
0x8e: {  	[tilespmem:s5+$0x1C840] =	vst v2  }
0x8f: {  	[bflag:$0x0] =	sbarrier.arrive $0xFFFF  }
0x90: {  	s30 =	rddreg [dreg:$0x11]  }
0x91: {  	[spmem:s9] =	stream.linear.scatter [tilespmem:s30], [sflag:$0x1], $0xC40, $0x38;
	[tilespmem:$0x1D4C0] =	vst v63  }
0x92: {  	_ =	swait.ge [sflag:s19], $0xC40  }
0x93: {  	[sflag:s19] =	ssyncset.done $0x0  }
0x94: {  	[sflag:s19] =	ssyncadd.s32 $0xFFFFF3C0  }
0x95: {  	[bflag:$0x0] =	sbarrier.arrive $0xFFFF  }
0x96: {  	s31 =	rddreg [dreg:$0x16]  }
0x97: {  	[tilespmem:s26], [sflag:$0x1] =	stream.linear.gather [spmem:s31], $0xC40, $0x38;
	[tilespmem:$0x1D4C0] =	vst v63  }
0x98: {  	_ =	swait.ge [sflag:s19], $0xC40  }
0x99: {  	[sflag:s19] =	ssyncset.done $0x0  }
0x9a: {  	s5 =	simm.s32 $0x0;
	[sflag:s19] =	ssyncadd.s32 $0xFFFFF3C0  }
0x9b: {  	s29 =	simm.s32 $0x40;
	v2 =	vld [tilespmem:s5+$0x1BBC0]  }
.LBB2_12:
0x9c: {  	p0 =	sne.s32 s29, $0x30C0;
	v3 =	vld [tilespmem:s5+$0x1C840];
	_ =	sdelay $0x2  }
.Ltmp5:
0x9d: {  	(pc) =	sbr.rel @p0 .LBB2_12-.Ltmp5, $4  }
0x9e: {  	_ = 	snop  }
0x9f: {  	v3 =	vadd.f32 v2, v3  }
0xa0: {  	s30 =	sshra.s32 s29, $0x2  }
0xa1: {  	s29 =	sadd.s32 $0x40, s29;
	v2 =	vld [tilespmem:s30+$0x1BBC0];
	[tilespmem:s5+$0x1C840] =	vst v3;
	s5 =	smov.u32 s30  }
0xa2: {  	v3 =	vld [tilespmem:s5+$0x1C840];
	_ =	sdelay $0x4  }
0xa3: {  	v2 =	vadd.f32 v2, v3;
	_ =	sdelay $0x1  }
0xa4: {  	[tilespmem:s5+$0x1C840] =	vst v2  }
0xa5: {  	[bflag:$0x0] =	sbarrier.arrive $0xFFFF  }
0xa6: {  	s30 =	rddreg [dreg:$0xf]  }
0xa7: {  	[spmem:s9] =	stream.linear.scatter [tilespmem:s30], [sflag:$0x1], $0xC40, $0x38;
	[tilespmem:$0x1D4C0] =	vst v63  }
0xa8: {  	_ =	swait.ge [sflag:s19], $0xC40  }
0xa9: {  	[sflag:s19] =	ssyncset.done $0x0  }
0xaa: {  	[sflag:s19] =	ssyncadd.s32 $0xFFFFF3C0  }
0xab: {  	[bflag:$0x0] =	sbarrier.arrive $0xFFFF  }
0xac: {  	s31 =	rddreg [dreg:$0x17]  }
0xad: {  	[tilespmem:s26], [sflag:$0x1] =	stream.linear.gather [spmem:s31], $0xC40, $0x38;
	[tilespmem:$0x1D4C0] =	vst v63  }
0xae: {  	_ =	swait.ge [sflag:s19], $0xC40  }
0xaf: {  	[sflag:s19] =	ssyncset.done $0x0  }
0xb0: {  	s5 =	simm.s32 $0x0;
	[sflag:s19] =	ssyncadd.s32 $0xFFFFF3C0  }
0xb1: {  	s29 =	simm.s32 $0x40;
	v2 =	vld [tilespmem:s5+$0x1BBC0]  }
.LBB2_14:
0xb2: {  	p0 =	sne.s32 s29, $0x30C0;
	v3 =	vld [tilespmem:s5+$0x1C840];
	_ =	sdelay $0x2  }
.Ltmp6:
0xb3: {  	(pc) =	sbr.rel @p0 .LBB2_14-.Ltmp6, $4  }
0xb4: {  	_ = 	snop  }
0xb5: {  	v3 =	vadd.f32 v2, v3  }
0xb6: {  	s30 =	sshra.s32 s29, $0x2  }
0xb7: {  	s29 =	sadd.s32 $0x40, s29;
	v2 =	vld [tilespmem:s30+$0x1BBC0];
	[tilespmem:s5+$0x1C840] =	vst v3;
	s5 =	smov.u32 s30  }
0xb8: {  	v3 =	vld [tilespmem:s5+$0x1C840];
	_ =	sdelay $0x4  }
0xb9: {  	v2 =	vadd.f32 v2, v3;
	_ =	sdelay $0x1  }
0xba: {  	[tilespmem:s5+$0x1C840] =	vst v2  }
0xbb: {  	[bflag:$0x0] =	sbarrier.arrive $0xFFFF  }
0xbc: {  	s30 =	rddreg [dreg:$0xd]  }
0xbd: {  	[spmem:s9] =	stream.linear.scatter [tilespmem:s30], [sflag:$0x1], $0xC40, $0x38;
	[tilespmem:$0x1D4C0] =	vst v63  }
0xbe: {  	_ =	swait.ge [sflag:s19], $0xC40  }
0xbf: {  	[sflag:s19] =	ssyncset.done $0x0  }
0xc0: {  	[sflag:s19] =	ssyncadd.s32 $0xFFFFF3C0  }
0xc1: {  	[bflag:$0x0] =	sbarrier.arrive $0xFFFF  }
0xc2: {  	s31 =	rddreg [dreg:$0x18]  }
0xc3: {  	[tilespmem:s26], [sflag:$0x1] =	stream.linear.gather [spmem:s31], $0xC40, $0x38;
	[tilespmem:$0x1D4C0] =	vst v63  }
0xc4: {  	_ =	swait.ge [sflag:s19], $0xC40  }
0xc5: {  	[sflag:s19] =	ssyncset.done $0x0  }
0xc6: {  	s5 =	simm.s32 $0x0;
	[sflag:s19] =	ssyncadd.s32 $0xFFFFF3C0  }
0xc7: {  	s29 =	simm.s32 $0x40;
	v2 =	vld [tilespmem:s5+$0x1BBC0]  }
.LBB2_16:
0xc8: {  	p0 =	sne.s32 s29, $0x30C0;
	v3 =	vld [tilespmem:s5+$0x1C840];
	_ =	sdelay $0x2  }
.Ltmp7:
0xc9: {  	(pc) =	sbr.rel @p0 .LBB2_16-.Ltmp7, $4  }
0xca: {  	_ = 	snop  }
0xcb: {  	v3 =	vadd.f32 v2, v3  }
0xcc: {  	s30 =	sshra.s32 s29, $0x2  }
0xcd: {  	s29 =	sadd.s32 $0x40, s29;
	v2 =	vld [tilespmem:s30+$0x1BBC0];
	[tilespmem:s5+$0x1C840] =	vst v3;
	s5 =	smov.u32 s30  }
0xce: {  	v3 =	vld [tilespmem:s5+$0x1C840];
	_ =	sdelay $0x4  }
0xcf: {  	v2 =	vadd.f32 v2, v3;
	_ =	sdelay $0x1  }
0xd0: {  	[tilespmem:s5+$0x1C840] =	vst v2  }
0xd1: {  	[bflag:$0x0] =	sbarrier.arrive $0xFFFF  }
0xd2: {  	s30 =	rddreg [dreg:$0xb]  }
0xd3: {  	[spmem:s9] =	stream.linear.scatter [tilespmem:s30], [sflag:$0x1], $0xC40, $0x38;
	[tilespmem:$0x1D4C0] =	vst v63  }
0xd4: {  	_ =	swait.ge [sflag:s19], $0xC40  }
0xd5: {  	[sflag:s19] =	ssyncset.done $0x0  }
0xd6: {  	[sflag:s19] =	ssyncadd.s32 $0xFFFFF3C0  }
0xd7: {  	[bflag:$0x0] =	sbarrier.arrive $0xFFFF  }
0xd8: {  	s31 =	rddreg [dreg:$0x19]  }
0xd9: {  	[tilespmem:s26], [sflag:$0x1] =	stream.linear.gather [spmem:s31], $0xC40, $0x38;
	[tilespmem:$0x1D4C0] =	vst v63  }
0xda: {  	_ =	swait.ge [sflag:s19], $0xC40  }
0xdb: {  	[sflag:s19] =	ssyncset.done $0x0  }
0xdc: {  	s5 =	simm.s32 $0x0;
	[sflag:s19] =	ssyncadd.s32 $0xFFFFF3C0  }
0xdd: {  	s29 =	simm.s32 $0x40;
	v2 =	vld [tilespmem:s5+$0x1BBC0]  }
.LBB2_18:
0xde: {  	p0 =	sne.s32 s29, $0x30C0;
	v3 =	vld [tilespmem:s5+$0x1C840];
	_ =	sdelay $0x2  }
.Ltmp8:
0xdf: {  	(pc) =	sbr.rel @p0 .LBB2_18-.Ltmp8, $4  }
0xe0: {  	_ = 	snop  }
0xe1: {  	v3 =	vadd.f32 v2, v3  }
0xe2: {  	s30 =	sshra.s32 s29, $0x2  }
0xe3: {  	s29 =	sadd.s32 $0x40, s29;
	v2 =	vld [tilespmem:s30+$0x1BBC0];
	[tilespmem:s5+$0x1C840] =	vst v3;
	s5 =	smov.u32 s30  }
0xe4: {  	v3 =	vld [tilespmem:s5+$0x1C840];
	_ =	sdelay $0x4  }
0xe5: {  	v2 =	vadd.f32 v2, v3;
	_ =	sdelay $0x1  }
0xe6: {  	[tilespmem:s5+$0x1C840] =	vst v2  }
0xe7: {  	[bflag:$0x0] =	sbarrier.arrive $0xFFFF  }
0xe8: {  	s30 =	rddreg [dreg:$0x9]  }
0xe9: {  	[spmem:s9] =	stream.linear.scatter [tilespmem:s30], [sflag:$0x1], $0xC40, $0x38;
	[tilespmem:$0x1D4C0] =	vst v63  }
0xea: {  	_ =	swait.ge [sflag:s19], $0xC40  }
0xeb: {  	[sflag:s19] =	ssyncset.done $0x0  }
0xec: {  	[sflag:s19] =	ssyncadd.s32 $0xFFFFF3C0  }
0xed: {  	[bflag:$0x0] =	sbarrier.arrive $0xFFFF  }
0xee: {  	s31 =	rddreg [dreg:$0x1a]  }
0xef: {  	[tilespmem:s26], [sflag:$0x1] =	stream.linear.gather [spmem:s31], $0xC40, $0x38;
	[tilespmem:$0x1D4C0] =	vst v63  }
0xf0: {  	_ =	swait.ge [sflag:s19], $0xC40  }
0xf1: {  	[sflag:s19] =	ssyncset.done $0x0  }
0xf2: {  	s5 =	simm.s32 $0x0;
	[sflag:s19] =	ssyncadd.s32 $0xFFFFF3C0  }
0xf3: {  	s29 =	simm.s32 $0x40;
	v2 =	vld [tilespmem:s5+$0x1BBC0]  }
.LBB2_20:
0xf4: {  	p0 =	sne.s32 s29, $0x30C0;
	v3 =	vld [tilespmem:s5+$0x1C840];
	_ =	sdelay $0x2  }
.Ltmp9:
0xf5: {  	(pc) =	sbr.rel @p0 .LBB2_20-.Ltmp9, $4  }
0xf6: {  	_ = 	snop  }
0xf7: {  	v3 =	vadd.f32 v2, v3  }
0xf8: {  	s30 =	sshra.s32 s29, $0x2  }
0xf9: {  	s29 =	sadd.s32 $0x40, s29;
	v2 =	vld [tilespmem:s30+$0x1BBC0];
	[tilespmem:s5+$0x1C840] =	vst v3;
	s5 =	smov.u32 s30  }
0xfa: {  	v3 =	vld [tilespmem:s5+$0x1C840];
	_ =	sdelay $0x4  }
0xfb: {  	v2 =	vadd.f32 v2, v3;
	_ =	sdelay $0x1  }
0xfc: {  	[tilespmem:s5+$0x1C840] =	vst v2  }
0xfd: {  	[bflag:$0x0] =	sbarrier.arrive $0xFFFF  }
0xfe: {  	s30 =	rddreg [dreg:$0x7]  }
0xff: {  	[spmem:s9] =	stream.linear.scatter [tilespmem:s30], [sflag:$0x1], $0xC40, $0x38;
	[tilespmem:$0x1D4C0] =	vst v63  }
0x100: {  	_ =	swait.ge [sflag:s19], $0xC40  }
0x101: {  	[sflag:s19] =	ssyncset.done $0x0  }
0x102: {  	[sflag:s19] =	ssyncadd.s32 $0xFFFFF3C0  }
0x103: {  	[bflag:$0x0] =	sbarrier.arrive $0xFFFF  }
0x104: {  	s31 =	rddreg [dreg:$0x1b]  }
0x105: {  	[tilespmem:s26], [sflag:$0x1] =	stream.linear.gather [spmem:s31], $0xC40, $0x38;
	[tilespmem:$0x1D4C0] =	vst v63  }
0x106: {  	_ =	swait.ge [sflag:s19], $0xC40  }
0x107: {  	[sflag:s19] =	ssyncset.done $0x0  }
0x108: {  	s5 =	simm.s32 $0x0;
	[sflag:s19] =	ssyncadd.s32 $0xFFFFF3C0  }
0x109: {  	s29 =	simm.s32 $0x40;
	v2 =	vld [tilespmem:s5+$0x1BBC0]  }
.LBB2_22:
0x10a: {  	p0 =	sne.s32 s29, $0x30C0;
	v3 =	vld [tilespmem:s5+$0x1C840];
	_ =	sdelay $0x2  }
.Ltmp10:
0x10b: {  	(pc) =	sbr.rel @p0 .LBB2_22-.Ltmp10, $4  }
0x10c: {  	_ = 	snop  }
0x10d: {  	v3 =	vadd.f32 v2, v3  }
0x10e: {  	s30 =	sshra.s32 s29, $0x2  }
0x10f: {  	s29 =	sadd.s32 $0x40, s29;
	v2 =	vld [tilespmem:s30+$0x1BBC0];
	[tilespmem:s5+$0x1C840] =	vst v3;
	s5 =	smov.u32 s30  }
0x110: {  	v3 =	vld [tilespmem:s5+$0x1C840];
	_ =	sdelay $0x4  }
0x111: {  	v2 =	vadd.f32 v2, v3;
	_ =	sdelay $0x1  }
0x112: {  	[tilespmem:s5+$0x1C840] =	vst v2  }
0x113: {  	[bflag:$0x0] =	sbarrier.arrive $0xFFFF  }
0x114: {  	[spmem:s9] =	stream.linear.scatter [tilespmem:s2], [sflag:$0x1], $0xC40, $0x38;
	[tilespmem:$0x1D4C0] =	vst v63  }
0x115: {  	_ =	swait.ge [sflag:s19], $0xC40  }
0x116: {  	[sflag:s19] =	ssyncset.done $0x0  }
0x117: {  	[sflag:s19] =	ssyncadd.s32 $0xFFFFF3C0  }
0x118: {  	[bflag:$0x0] =	sbarrier.arrive $0xFFFF  }
0x119: {  	s31 =	rddreg [dreg:$0x1c]  }
0x11a: {  	[tilespmem:s26], [sflag:$0x1] =	stream.linear.gather [spmem:s31], $0xC40, $0x38;
	[tilespmem:$0x1D4C0] =	vst v63  }
0x11b: {  	_ =	swait.ge [sflag:s19], $0xC40  }
0x11c: {  	[sflag:s19] =	ssyncset.done $0x0  }
0x11d: {  	s5 =	simm.s32 $0x0;
	[sflag:s19] =	ssyncadd.s32 $0xFFFFF3C0  }
0x11e: {  	s29 =	simm.s32 $0x40;
	v2 =	vld [tilespmem:s5+$0x1BBC0]  }
.LBB2_24:
0x11f: {  	p0 =	sne.s32 s29, $0x30C0;
	v3 =	vld [tilespmem:s5+$0x1C840];
	_ =	sdelay $0x2  }
.Ltmp11:
0x120: {  	(pc) =	sbr.rel @p0 .LBB2_24-.Ltmp11, $4  }
0x121: {  	_ = 	snop  }
0x122: {  	v3 =	vadd.f32 v2, v3  }
0x123: {  	s30 =	sshra.s32 s29, $0x2  }
0x124: {  	s29 =	sadd.s32 $0x40, s29;
	v2 =	vld [tilespmem:s30+$0x1BBC0];
	[tilespmem:s5+$0x1C840] =	vst v3;
	s5 =	smov.u32 s30  }
0x125: {  	v3 =	vld [tilespmem:s5+$0x1C840];
	_ =	sdelay $0x4  }
0x126: {  	v2 =	vadd.f32 v2, v3;
	_ =	sdelay $0x1  }
0x127: {  	[tilespmem:s5+$0x1C840] =	vst v2  }
0x128: {  	[bflag:$0x0] =	sbarrier.arrive $0xFFFF  }
0x129: {  	[spmem:s9] =	stream.linear.scatter [tilespmem:s0], [sflag:$0x1], $0xC40, $0x38;
	[tilespmem:$0x1D4C0] =	vst v63  }
0x12a: {  	_ =	swait.ge [sflag:s19], $0xC40  }
0x12b: {  	[sflag:s19] =	ssyncset.done $0x0  }
0x12c: {  	[sflag:s19] =	ssyncadd.s32 $0xFFFFF3C0  }
0x12d: {  	[bflag:$0x0] =	sbarrier.arrive $0xFFFF  }
0x12e: {  	s31 =	rddreg [dreg:$0x8]  }
0x12f: {  	[tilespmem:s26], [sflag:$0x1] =	stream.linear.gather [spmem:s31], $0xC40, $0x38;
	[tilespmem:$0x1D4C0] =	vst v63  }
0x130: {  	_ =	swait.ge [sflag:s19], $0xC40  }
0x131: {  	[sflag:s19] =	ssyncset.done $0x0  }
0x132: {  	s5 =	simm.s32 $0x0;
	[sflag:s19] =	ssyncadd.s32 $0xFFFFF3C0  }
0x133: {  	s29 =	simm.s32 $0x40;
	v2 =	vld [tilespmem:s5+$0x1BBC0]  }
.LBB2_26:
0x134: {  	p0 =	sne.s32 s29, $0x30C0;
	v3 =	vld [tilespmem:s5+$0x1C840];
	_ =	sdelay $0x2  }
.Ltmp12:
0x135: {  	(pc) =	sbr.rel @p0 .LBB2_26-.Ltmp12, $4  }
0x136: {  	_ = 	snop  }
0x137: {  	v3 =	vadd.f32 v2, v3  }
0x138: {  	s30 =	sshra.s32 s29, $0x2  }
0x139: {  	s29 =	sadd.s32 $0x40, s29;
	v2 =	vld [tilespmem:s30+$0x1BBC0];
	[tilespmem:s5+$0x1C840] =	vst v3;
	s5 =	smov.u32 s30  }
0x13a: {  	v3 =	vld [tilespmem:s5+$0x1C840];
	_ =	sdelay $0x4  }
0x13b: {  	v2 =	vadd.f32 v2, v3;
	_ =	sdelay $0x1  }
0x13c: {  	[tilespmem:s5+$0x1C840] =	vst v2  }
0x13d: {  	[bflag:$0x0] =	sbarrier.arrive $0xFFFF  }
0x13e: {  	[spmem:s9] =	stream.linear.scatter [tilespmem:s10], [sflag:$0x1], $0xC40, $0x38;
	[tilespmem:$0x1D4C0] =	vst v63  }
0x13f: {  	_ =	swait.ge [sflag:s19], $0xC40  }
0x140: {  	[sflag:s19] =	ssyncset.done $0x0  }
0x141: {  	[sflag:s19] =	ssyncadd.s32 $0xFFFFF3C0  }
0x142: {  	[bflag:$0x0] =	sbarrier.arrive $0xFFFF  }
0x143: {  	s31 =	rddreg [dreg:$0xa]  }
0x144: {  	[tilespmem:s26], [sflag:$0x1] =	stream.linear.gather [spmem:s31], $0xC40, $0x38;
	[tilespmem:$0x1D4C0] =	vst v63  }
0x145: {  	_ =	swait.ge [sflag:s19], $0xC40  }
0x146: {  	[sflag:s19] =	ssyncset.done $0x0  }
0x147: {  	s5 =	simm.s32 $0x0;
	[sflag:s19] =	ssyncadd.s32 $0xFFFFF3C0  }
0x148: {  	s29 =	simm.s32 $0x40;
	v2 =	vld [tilespmem:s5+$0x1BBC0]  }
.LBB2_28:
0x149: {  	p0 =	sne.s32 s29, $0x30C0;
	v3 =	vld [tilespmem:s5+$0x1C840];
	_ =	sdelay $0x2  }
.Ltmp13:
0x14a: {  	(pc) =	sbr.rel @p0 .LBB2_28-.Ltmp13, $4  }
0x14b: {  	_ = 	snop  }
0x14c: {  	v3 =	vadd.f32 v2, v3  }
0x14d: {  	s30 =	sshra.s32 s29, $0x2  }
0x14e: {  	s29 =	sadd.s32 $0x40, s29;
	v2 =	vld [tilespmem:s30+$0x1BBC0];
	[tilespmem:s5+$0x1C840] =	vst v3;
	s5 =	smov.u32 s30  }
0x14f: {  	v3 =	vld [tilespmem:s5+$0x1C840];
	_ =	sdelay $0x4  }
0x150: {  	v2 =	vadd.f32 v2, v3;
	_ =	sdelay $0x1  }
0x151: {  	[tilespmem:s5+$0x1C840] =	vst v2  }
0x152: {  	[bflag:$0x0] =	sbarrier.arrive $0xFFFF  }
0x153: {  	[spmem:s9] =	stream.linear.scatter [tilespmem:s11], [sflag:$0x1], $0xC40, $0x38;
	[tilespmem:$0x1D4C0] =	vst v63  }
0x154: {  	_ =	swait.ge [sflag:s19], $0xC40  }
0x155: {  	[sflag:s19] =	ssyncset.done $0x0  }
0x156: {  	[sflag:s19] =	ssyncadd.s32 $0xFFFFF3C0  }
0x157: {  	[bflag:$0x0] =	sbarrier.arrive $0xFFFF  }
0x158: {  	s31 =	rddreg [dreg:$0xc]  }
0x159: {  	[tilespmem:s26], [sflag:$0x1] =	stream.linear.gather [spmem:s31], $0xC40, $0x38;
	[tilespmem:$0x1D4C0] =	vst v63  }
0x15a: {  	_ =	swait.ge [sflag:s19], $0xC40  }
0x15b: {  	[sflag:s19] =	ssyncset.done $0x0  }
0x15c: {  	s5 =	simm.s32 $0x0;
	[sflag:s19] =	ssyncadd.s32 $0xFFFFF3C0  }
0x15d: {  	s29 =	simm.s32 $0x40;
	v2 =	vld [tilespmem:s5+$0x1BBC0]  }
.LBB2_30:
0x15e: {  	p0 =	sne.s32 s29, $0x30C0;
	v3 =	vld [tilespmem:s5+$0x1C840];
	_ =	sdelay $0x2  }
.Ltmp14:
0x15f: {  	(pc) =	sbr.rel @p0 .LBB2_30-.Ltmp14, $4  }
0x160: {  	_ = 	snop  }
0x161: {  	v3 =	vadd.f32 v2, v3  }
0x162: {  	s30 =	sshra.s32 s29, $0x2  }
0x163: {  	s29 =	sadd.s32 $0x40, s29;
	v2 =	vld [tilespmem:s30+$0x1BBC0];
	[tilespmem:s5+$0x1C840] =	vst v3;
	s5 =	smov.u32 s30  }
0x164: {  	v3 =	vld [tilespmem:s5+$0x1C840];
	_ =	sdelay $0x4  }
0x165: {  	v2 =	vadd.f32 v2, v3;
	_ =	sdelay $0x1  }
0x166: {  	[tilespmem:s5+$0x1C840] =	vst v2  }
0x167: {  	[bflag:$0x0] =	sbarrier.arrive $0xFFFF  }
0x168: {  	[spmem:s9] =	stream.linear.scatter [tilespmem:s12], [sflag:$0x1], $0xC40, $0x38;
	[tilespmem:$0x1D4C0] =	vst v63  }
0x169: {  	_ =	swait.ge [sflag:s19], $0xC40  }
0x16a: {  	[sflag:s19] =	ssyncset.done $0x0  }
0x16b: {  	[sflag:s19] =	ssyncadd.s32 $0xFFFFF3C0  }
0x16c: {  	[bflag:$0x0] =	sbarrier.arrive $0xFFFF  }
0x16d: {  	s31 =	rddreg [dreg:$0xe]  }
0x16e: {  	[tilespmem:s26], [sflag:$0x1] =	stream.linear.gather [spmem:s31], $0xC40, $0x38;
	[tilespmem:$0x1D4C0] =	vst v63  }
0x16f: {  	_ =	swait.ge [sflag:s19], $0xC40  }
0x170: {  	[sflag:s19] =	ssyncset.done $0x0  }
0x171: {  	s5 =	simm.s32 $0x0;
	[sflag:s19] =	ssyncadd.s32 $0xFFFFF3C0  }
0x172: {  	s29 =	simm.s32 $0x40;
	v2 =	vld [tilespmem:s5+$0x1BBC0]  }
.LBB2_32:
0x173: {  	p0 =	sne.s32 s29, $0x30C0;
	v3 =	vld [tilespmem:s5+$0x1C840];
	_ =	sdelay $0x2  }
.Ltmp15:
0x174: {  	(pc) =	sbr.rel @p0 .LBB2_32-.Ltmp15, $4  }
0x175: {  	_ = 	snop  }
0x176: {  	v3 =	vadd.f32 v2, v3  }
0x177: {  	s30 =	sshra.s32 s29, $0x2  }
0x178: {  	s29 =	sadd.s32 $0x40, s29;
	v2 =	vld [tilespmem:s30+$0x1BBC0];
	[tilespmem:s5+$0x1C840] =	vst v3;
	s5 =	smov.u32 s30  }
0x179: {  	v3 =	vld [tilespmem:s5+$0x1C840];
	_ =	sdelay $0x4  }
0x17a: {  	v2 =	vadd.f32 v2, v3;
	_ =	sdelay $0x1  }
0x17b: {  	[tilespmem:s5+$0x1C840] =	vst v2  }
0x17c: {  	[bflag:$0x0] =	sbarrier.arrive $0xFFFF  }
0x17d: {  	[spmem:s9] =	stream.linear.scatter [tilespmem:s13], [sflag:$0x1], $0xC40, $0x38;
	[tilespmem:$0x1D4C0] =	vst v63  }
0x17e: {  	_ =	swait.ge [sflag:s19], $0xC40  }
0x17f: {  	[sflag:s19] =	ssyncset.done $0x0  }
0x180: {  	[sflag:s19] =	ssyncadd.s32 $0xFFFFF3C0  }
0x181: {  	[bflag:$0x0] =	sbarrier.arrive $0xFFFF  }
0x182: {  	s31 =	rddreg [dreg:$0x10]  }
0x183: {  	[tilespmem:s26], [sflag:$0x1] =	stream.linear.gather [spmem:s31], $0xC40, $0x38;
	[tilespmem:$0x1D4C0] =	vst v63  }
0x184: {  	_ =	swait.ge [sflag:s19], $0xC40  }
0x185: {  	[sflag:s19] =	ssyncset.done $0x0  }
0x186: {  	s5 =	simm.s32 $0x0;
	[sflag:s19] =	ssyncadd.s32 $0xFFFFF3C0  }
0x187: {  	s29 =	simm.s32 $0x40;
	v2 =	vld [tilespmem:s5+$0x1BBC0]  }
.LBB2_34:
0x188: {  	p0 =	sne.s32 s29, $0x30C0;
	v3 =	vld [tilespmem:s5+$0x1C840];
	_ =	sdelay $0x2  }
.Ltmp16:
0x189: {  	(pc) =	sbr.rel @p0 .LBB2_34-.Ltmp16, $4  }
0x18a: {  	_ = 	snop  }
0x18b: {  	v3 =	vadd.f32 v2, v3  }
0x18c: {  	s30 =	sshra.s32 s29, $0x2  }
0x18d: {  	s29 =	sadd.s32 $0x40, s29;
	v2 =	vld [tilespmem:s30+$0x1BBC0];
	[tilespmem:s5+$0x1C840] =	vst v3;
	s5 =	smov.u32 s30  }
0x18e: {  	v3 =	vld [tilespmem:s5+$0x1C840];
	_ =	sdelay $0x4  }
0x18f: {  	v2 =	vadd.f32 v2, v3;
	_ =	sdelay $0x1  }
0x190: {  	[tilespmem:s5+$0x1C840] =	vst v2  }
0x191: {  	[bflag:$0x0] =	sbarrier.arrive $0xFFFF  }
0x192: {  	[spmem:s9] =	stream.linear.scatter [tilespmem:s14], [sflag:$0x1], $0xC40, $0x38;
	[tilespmem:$0x1D4C0] =	vst v63  }
0x193: {  	_ =	swait.ge [sflag:s19], $0xC40  }
0x194: {  	[sflag:s19] =	ssyncset.done $0x0  }
0x195: {  	[sflag:s19] =	ssyncadd.s32 $0xFFFFF3C0  }
0x196: {  	[bflag:$0x0] =	sbarrier.arrive $0xFFFF  }
0x197: {  	s31 =	rddreg [dreg:$0x12]  }
0x198: {  	[tilespmem:s26], [sflag:$0x1] =	stream.linear.gather [spmem:s31], $0xC40, $0x38;
	[tilespmem:$0x1D4C0] =	vst v63  }
0x199: {  	_ =	swait.ge [sflag:s19], $0xC40  }
0x19a: {  	[sflag:s19] =	ssyncset.done $0x0  }
0x19b: {  	s5 =	simm.s32 $0x0;
	[sflag:s19] =	ssyncadd.s32 $0xFFFFF3C0  }
0x19c: {  	s29 =	simm.s32 $0x40;
	v2 =	vld [tilespmem:s5+$0x1BBC0]  }
.LBB2_36:
0x19d: {  	p0 =	sne.s32 s29, $0x30C0;
	v3 =	vld [tilespmem:s5+$0x1C840];
	_ =	sdelay $0x2  }
.Ltmp17:
0x19e: {  	(pc) =	sbr.rel @p0 .LBB2_36-.Ltmp17, $4  }
0x19f: {  	_ = 	snop  }
0x1a0: {  	v3 =	vadd.f32 v2, v3  }
0x1a1: {  	s30 =	sshra.s32 s29, $0x2  }
0x1a2: {  	s29 =	sadd.s32 $0x40, s29;
	v2 =	vld [tilespmem:s30+$0x1BBC0];
	[tilespmem:s5+$0x1C840] =	vst v3;
	s5 =	smov.u32 s30  }
0x1a3: {  	v3 =	vld [tilespmem:s5+$0x1C840];
	_ =	sdelay $0x4  }
0x1a4: {  	v2 =	vadd.f32 v2, v3;
	_ =	sdelay $0x1  }
0x1a5: {  	[tilespmem:s5+$0x1C840] =	vst v2  }
0x1a6: {  	[bflag:$0x0] =	sbarrier.arrive $0xFFFF  }
0x1a7: {  	[spmem:s9] =	stream.linear.scatter [tilespmem:s15], [sflag:$0x1], $0xC40, $0x38;
	[tilespmem:$0x1D4C0] =	vst v63  }
0x1a8: {  	_ =	swait.ge [sflag:s19], $0xC40  }
0x1a9: {  	[sflag:s19] =	ssyncset.done $0x0  }
0x1aa: {  	[sflag:s19] =	ssyncadd.s32 $0xFFFFF3C0  }
0x1ab: {  	[bflag:$0x0] =	sbarrier.arrive $0xFFFF  }
0x1ac: {  	s31 =	rddreg [dreg:$0x14]  }
0x1ad: {  	[tilespmem:s26], [sflag:$0x1] =	stream.linear.gather [spmem:s31], $0xC40, $0x38;
	[tilespmem:$0x1D4C0] =	vst v63  }
0x1ae: {  	_ =	swait.ge [sflag:s19], $0xC40  }
0x1af: {  	[sflag:s19] =	ssyncset.done $0x0  }
0x1b0: {  	s5 =	simm.s32 $0x0;
	[sflag:s19] =	ssyncadd.s32 $0xFFFFF3C0  }
0x1b1: {  	s29 =	simm.s32 $0x40;
	v2 =	vld [tilespmem:s5+$0x1BBC0]  }
.LBB2_38:
0x1b2: {  	p0 =	sne.s32 s29, $0x30C0;
	v3 =	vld [tilespmem:s5+$0x1C840];
	_ =	sdelay $0x2  }
.Ltmp18:
0x1b3: {  	(pc) =	sbr.rel @p0 .LBB2_38-.Ltmp18, $4  }
0x1b4: {  	_ = 	snop  }
0x1b5: {  	v3 =	vadd.f32 v2, v3  }
0x1b6: {  	s30 =	sshra.s32 s29, $0x2  }
0x1b7: {  	s29 =	sadd.s32 $0x40, s29;
	v2 =	vld [tilespmem:s30+$0x1BBC0];
	[tilespmem:s5+$0x1C840] =	vst v3;
	s5 =	smov.u32 s30  }
0x1b8: {  	v3 =	vld [tilespmem:s5+$0x1C840];
	_ =	sdelay $0x4  }
0x1b9: {  	v2 =	vadd.f32 v2, v3  }
0x1ba: {  	s28 =	sadd.s32 $0x1, s28  }
0x1bb: {  	p0 =	sne.s32 s28, s17;
	[tilespmem:s5+$0x1C840] =	vst v2  }
.Ltmp19:
0x1bc: {  	s31 =	simm.s32 $0x1C840;
	[bflag:$0x0] =	sbarrier.arrive $0xFFFF;
	(pc) =	sbr.rel @p0 .LBB2_1-.Ltmp19, $4  }
0x1bd: {  	[hbm4b:s16+s7] =	stream.linear.scatter [tilespmem:s31], [sflag:$0x1], $0xC40, $0x38;
	[tilespmem:$0x1D4C0] =	vst v63  }
0x1be: {  	_ =	swait.ge [sflag:s19], $0xC40  }
0x1bf: {  	[sflag:s19] =	ssyncset.done $0x0  }
0x1c0: {  	[sflag:s19] =	ssyncadd.s32 $0xFFFFF3C0  }
0x1c1: {  	_ =	sfence.sel $0x180000  }
0x1c2: {  	[bflag:$0x0] =	sbarrier.arrive $0xFFFF  }
0x1c3: {  	_ =	strace $0x90000047  }
0x1c4: {  	s0 =	stileid.u32;
	[bflag:$0x2] =	sbarrier.arrive $0xFFFF  }
0x1c5: {  	p0 =	sne.s32 s0, $0x0;
	s0 =	rddreg [dreg:$0x6]  }
0x1c6: {  	s0 =	sadd.s32 @!p0 $0x100000, s0  }
0x1c7: {  	[sflag:s0] =	ssyncadd.tile.s32 @!p0 $0x1;
	_ =	shalt  }
.Lfunc_end2:
_tile_overlayer_lowered:
.L_overlay_start_2:
0x1c8: {  	(tag) =	ssettag $0x2  }
0x1c9: {  	s0 =	rddreg [dreg:$0x0];
	s2 =	stileid.u32  }
0x1ca: {  	s1 =	rddreg [dreg:$0x1];
	p0 =	sne.s32 s2, $0x0  }
0x1cb: {  	s3 =	rddreg [dreg:$0x2];
	[bflag:$0x3] =	sbarrier.arrive $0xFFFF;
	s2 =	simm.s32 @!p0 $0x1C01  }
0x1cc: {  	[timem:s3], [sflag:s2] =	dma.local @!p0 [hbm:s0], s1  }
0x1cd: {  	s0 =	simm.s32 @!p0 $0x1  }
0x1ce: {  	_ =	swait.ge @!p0 [sflag:s0], s1  }
0x1cf: {  	s1 =	ssub.s32 @!p0 $0x0, s1;
	[sflag:s0] =	ssyncset.done @!p0 $0x0  }
0x1d0: {  	[sflag:s0] =	ssyncadd.s32 @!p0 s1  }
0x1d1: {  	[bflag:$0x3] =	sbarrier.arrive $0xFFFF  }
0x1d2: {  	_ =	shalt  }

</sc_bundles>
